<compile_context>
chip_gen: v7x
topology: tpu7x:2x2x1
jax: 0.10.2.dev20260603
libtpu: 0.0.44.dev20260713+nightly
codegen_flags: <defaults>
</compile_context>

<pallas_src>
import functools

import jax
import jax.numpy as jnp
from jax import lax
from jax.experimental import pallas as pl
from jax.experimental.pallas import tpu as pltpu
from jax.experimental.pallas import tpu_sc as plsc

EPS = 0.01
ITP = 10
PT = 1280
NBLK = 4096

SC_NC = 2
SC_NS = 16
SC_LANES = 16
NW = SC_NC * SC_NS


def _knn_body(qn2_ref, q2_ref, sT_ref, s2_ref, nT_ref, idx_ref, tbl_ref,
              d2_ref):
    b = pl.program_id(0)
    n = sT_ref.shape[-1]
    pt = q2_ref.shape[-1]

    sxr = sT_ref[0, 0, :]
    syr = sT_ref[0, 1, :]
    szr = sT_ref[0, 2, :]
    nxr = nT_ref[0, 0, :]
    nyr = nT_ref[0, 1, :]
    nzr = nT_ref[0, 2, :]
    tbl_ref[0, 0, :] = nxr
    tbl_ref[0, 1, :] = nyr
    tbl_ref[0, 2, :] = nzr
    tbl_ref[0, 3, :] = (sxr * nxr + syr * nyr + szr * nzr
                        + EPS * (nxr * nxr + nyr * nyr + nzr * nzr))

    qm = qn2_ref[0].astype(jnp.bfloat16)
    q2c = q2_ref[0, 0, :].reshape(pt, 1)

    for nb in range(n // NBLK):
        sl = pl.ds(nb * NBLK, NBLK)
        st = sT_ref[0, :, sl].astype(jnp.bfloat16)
        s2b = s2_ref[0, 0, sl].reshape(1, NBLK)
        qs2 = jax.lax.dot_general(qm, st, (((1,), (0,)), ((), ())),
                                  preferred_element_type=jnp.float32)
        d2_ref[:, sl] = (q2c + s2b) + qs2
    bidx = jnp.argmin(d2_ref[...], axis=1).astype(jnp.int32)
    idx_ref[0, 0, :] = bidx + b * n


def _sc_loss_body(q_h, tbl_h, idx_h, out_h, idx_v, q_v, t_v, acc_v, sem):
    qpw = q_v.shape[0]
    n1 = t_v.shape[-1]
    wid = lax.axis_index("s") * SC_NC + lax.axis_index("c")
    batch = wid // SC_NS
    qb = (wid % SC_NS) * qpw
    boff = batch * n1
    cps = [pltpu.async_copy(idx_h.at[batch, 0], idx_v, sem),
           pltpu.async_copy(q_h.at[batch, pl.ds(qb, qpw)], q_v, sem),
           pltpu.async_copy(tbl_h.at[batch], t_v, sem)]
    for cp in cps:
        cp.wait()

    lane = jnp.arange(SC_LANES, dtype=jnp.int32)
    c0 = jnp.full((SC_LANES,), 0, jnp.int32)
    c1 = jnp.full((SC_LANES,), 1, jnp.int32)
    c2 = jnp.full((SC_LANES,), 2, jnp.int32)
    c3 = jnp.full((SC_LANES,), 3, jnp.int32)
    acc = jnp.zeros((SC_LANES,), dtype=jnp.float32)
    for g in range(qpw // SC_LANES):
        ii = plsc.load_gather(idx_v, [lane + (qb + g * SC_LANES)])
        il = ii - boff
        gnx = plsc.load_gather(t_v, [c0, il])
        gny = plsc.load_gather(t_v, [c1, il])
        gnz = plsc.load_gather(t_v, [c2, il])
        gc = plsc.load_gather(t_v, [c3, il])
        ql = lane + g * SC_LANES
        qx = plsc.load_gather(q_v, [ql, c0])
        qy = plsc.load_gather(q_v, [ql, c1])
        qz = plsc.load_gather(q_v, [ql, c2])
        dot = (qx * gnx + qy * gny + qz * gnz) - gc
        acc = acc + jnp.maximum(-dot, 0.0)
    acc_v[...] = acc
    pltpu.sync_copy(acc_v, out_h.at[pl.ds(wid * SC_LANES, SC_LANES)])


def kernel(cage, shape, shape_normals):
    B, M, D = cage.shape
    N = shape.shape[1]
    P = M * ITP

    cage_p = jnp.roll(cage, shift=-1, axis=1)
    t = jnp.linspace(0.0, 1.0, ITP).reshape(1, 1, ITP, 1)
    q = (t * cage_p[:, :, None, :] + (1.0 - t) * cage[:, :, None, :])
    q = q.reshape(B, P, D)

    qn2 = -2.0 * q
    q2 = jnp.sum(q * q, axis=-1).reshape(B, 1, P)
    sT = shape.transpose(0, 2, 1)
    s2 = jnp.sum(shape * shape, axis=-1).reshape(B, 1, N)

    nT = shape_normals.transpose(0, 2, 1)

    nn_idx, tbl = pl.pallas_call(
        _knn_body,
        grid=(B, P // PT),
        in_specs=[pl.BlockSpec((1, PT, 3), lambda b, j: (b, j, 0)),
                  pl.BlockSpec((1, 1, PT), lambda b, j: (b, 0, j)),
                  pl.BlockSpec((1, 3, N), lambda b, j: (b, 0, 0)),
                  pl.BlockSpec((1, 1, N), lambda b, j: (b, 0, 0)),
                  pl.BlockSpec((1, 3, N), lambda b, j: (b, 0, 0))],
        out_specs=[pl.BlockSpec((1, 1, PT), lambda b, j: (b, 0, j)),
                   pl.BlockSpec((1, 4, N), lambda b, j: (b, 0, 0))],
        out_shape=[jax.ShapeDtypeStruct((B, 1, P), jnp.int32),
                   jax.ShapeDtypeStruct((B, 4, N), jnp.float32)],
        scratch_shapes=[pltpu.VMEM((PT, N), jnp.float32)],
    )(qn2, q2, sT, s2, nT)

    qpw = (B * P) // NW
    sc_loss = functools.partial(
        pl.kernel,
        out_type=jax.ShapeDtypeStruct((NW * SC_LANES,), jnp.float32),
        mesh=plsc.VectorSubcoreMesh(core_axis_name="c", subcore_axis_name="s"),
        scratch_types=[
            pltpu.VMEM((P,), jnp.int32),
            pltpu.VMEM((qpw, 3), jnp.float32),
            pltpu.VMEM((4, N), jnp.float32),
            pltpu.VMEM((SC_LANES,), jnp.float32),
            pltpu.SemaphoreType.DMA,
        ],
        compiler_params=pltpu.CompilerParams(needs_layout_passes=False),
    )(_sc_loss_body)

    partials = sc_loss(q, tbl, nn_idx)
    return jnp.sum(partials) / (B * P)

# --- scband reference (transcript-rebuilt; emitter-appended) ---
"""Pipeline reference for scband-inside-loss2-d-9758165696608 (READ-ONLY COPY).

The authoritative reference and input builder live on the scoring server;
editing this copy changes nothing except your own understanding.
"""

import jax, jax.numpy as jnp
import numpy as np


def setup_inputs(seed=0) -> dict:
    key = jax.random.key(seed)
    k1, k2, k3 = jax.random.split(key, 3)
    cage = jax.random.normal(k1, (2, 256, 3), dtype=jnp.float32)
    shape = jax.random.normal(k2, (2, 8192, 3), dtype=jnp.float32)
    shape_normals = jax.random.normal(k3, (2, 8192, 3), dtype=jnp.float32)
    return {"cage": cage, "shape": shape, "shape_normals": shape_normals}


def reference(cage, shape, shape_normals):
    epsilon = 0.01
    B, M, D = cage.shape
    interpolate_n = 10
    # cage_p = cage rolled by one vertex (closing the polygon)
    cage_p = jnp.roll(cage, shift=-1, axis=1)
    t = jnp.linspace(0.0, 1.0, interpolate_n).reshape(1, 1, interpolate_n, 1)
    cage_itp = t * cage_p[:, :, None, :] + (1.0 - t) * cage[:, :, None, :]
    cage_itp = cage_itp.reshape(B, M * interpolate_n, D)
    # brute-force 1-NN (faiss_knn with k=1): squared L2 distances
    q2 = jnp.sum(cage_itp * cage_itp, axis=-1)[:, :, None]
    s2 = jnp.sum(shape * shape, axis=-1)[:, None, :]
    qs = jnp.einsum('bpd,bnd->bpn', cage_itp, shape)
    d2 = q2 + s2 - 2.0 * qs
    nn_index = jnp.argmin(d2, axis=-1)  # (B, P)
    nn_point = jnp.take_along_axis(shape, nn_index[:, :, None], axis=1)
    nn_normal = jnp.take_along_axis(shape_normals, nn_index[:, :, None], axis=1)
    dot = jnp.sum((cage_itp - nn_point - epsilon * nn_normal) * nn_normal, axis=-1)
    loss = jnp.where(dot < 0, -dot, jnp.zeros_like(dot))
    return loss.mean()

if __name__ == "__main__":
    import jax
    _d = setup_inputs()
    print(jax.jit(kernel)(*tuple(_d.values())))

</pallas_src>

<mosaic_0001>
#map = affine_map<(d0, d1) -> (0, 0, 0)>
#map1 = affine_map<(d0, d1) -> (0)>
module attributes {stable_mosaic.version = 14 : i64} {
  func.func @_sc_loss_body(%arg0: i32, %arg1: i32, %arg2: memref<2x2560x3xf32, #tpu.memory_space<hbm>>, %arg3: memref<2x4x8192xf32, #tpu.memory_space<hbm>>, %arg4: memref<2x1x2560xi32, #tpu.memory_space<hbm>>, %arg5: memref<512xf32, #tpu.memory_space<hbm>>, %arg6: memref<2560xi32, #tpu.memory_space<vmem>>, %arg7: memref<160x3xf32, #tpu.memory_space<vmem>>, %arg8: memref<4x8192xf32, #tpu.memory_space<vmem>>, %arg9: memref<16xf32, #tpu.memory_space<vmem>>, %arg10: memref<!tpu.dma_semaphore, #tpu.memory_space<semaphore_mem>>) attributes {dimension_semantics = [#tpu.dimension_semantics<core_parallel>, #tpu.dimension_semantics<subcore_parallel>], iteration_bounds = array<i64: 2, 16>, scalar_prefetch = 0 : i64, scratch_operands = 5 : i64, tpu.core_type = #tpu.core_type<sc_vector_subcore>, window_params = [{transform_indices = #map}, {transform_indices = #map}, {transform_indices = #map}, {transform_indices = #map1}]} {
    %mul3A = arith.constant 2 : i32
    %mul3A_0 = arith.muli %arg1, %mul3A : i32
    %add3A = arith.addi %mul3A_0, %arg0 : i32
    %jit3A = arith.constant 16 : i32
    %div3A = arith.divsi %add3A, %jit3A : i32
    %sign3A = arith.constant 0 : i32
    %sign3A_1 = arith.cmpi sgt, %add3A, %sign3A : i32
    %sign3A_2 = arith.extui %sign3A_1 : i1 to i32
    %sign3A_3 = arith.constant 0 : i32
    %sign3A_4 = arith.cmpi slt, %add3A, %sign3A_3 : i32
    %sign3A_5 = arith.extui %sign3A_4 : i1 to i32
    %sign3A_6 = arith.subi %sign3A_2, %sign3A_5 : i32
    %sign3A_7 = arith.constant 0 : i32
    %sign3A_8 = arith.cmpi sgt, %jit3A, %sign3A_7 : i32
    %sign3A_9 = arith.extui %sign3A_8 : i1 to i32
    %sign3A_10 = arith.constant 0 : i32
    %sign3A_11 = arith.cmpi slt, %jit3A, %sign3A_10 : i32
    %sign3A_12 = arith.extui %sign3A_11 : i1 to i32
    %sign3A_13 = arith.subi %sign3A_9, %sign3A_12 : i32
    %ne3A = arith.cmpi ne, %sign3A_6, %sign3A_13 : i32
    %rem3A = arith.remsi %add3A, %jit3A : i32
    %ne3A_14 = arith.constant 0 : i32
    %ne3A_15 = arith.cmpi ne, %rem3A, %ne3A_14 : i32
    %and3A = arith.andi %ne3A, %ne3A_15 : i1
    %sub3A = arith.constant 1 : i32
    %sub3A_16 = arith.subi %div3A, %sub3A : i32
    %select_n3A = arith.select %and3A, %sub3A_16, %div3A : i32
    %jit3A_17 = arith.constant 16 : i32
    %eq3A = arith.constant 0 : i32
    %eq3A_18 = arith.cmpi eq, %jit3A_17, %eq3A : i32
    %jit3A_19 = arith.constant 1 : i32
    %select_n3A_20 = arith.select %eq3A_18, %jit3A_19, %jit3A_17 : i32
    %rem3A_21 = arith.remsi %add3A, %select_n3A_20 : i32
    %ne3A_22 = arith.constant 0 : i32
    %ne3A_23 = arith.cmpi ne, %rem3A_21, %ne3A_22 : i32
    %lt3A = arith.constant 0 : i32
    %lt3A_24 = arith.cmpi slt, %rem3A_21, %lt3A : i32
    %lt3A_25 = arith.constant 0 : i32
    %lt3A_26 = arith.cmpi slt, %select_n3A_20, %lt3A_25 : i32
    %ne3A_27 = arith.xori %lt3A_24, %lt3A_26 : i1
    %and3A_28 = arith.andi %ne3A_27, %ne3A_23 : i1
    %add3A_29 = arith.addi %rem3A_21, %select_n3A_20 : i32
    %select_n3A_30 = arith.select %and3A_28, %add3A_29, %rem3A_21 : i32
    %mul3A_31 = arith.constant 160 : i32
    %mul3A_32 = arith.muli %select_n3A_30, %mul3A_31 : i32
    %mul3A_33 = arith.constant 8192 : i32
    %mul3A_34 = arith.muli %select_n3A, %mul3A_33 : i32
    %dma_start3A = arith.constant 0 : i32
    %dma_start3A_35 = arith.constant 0 : i32
    %dma_start3A_36 = tpu.memref_slice %arg4[%select_n3A, %dma_start3A, %dma_start3A_35] : memref<2x1x2560xi32, #tpu.memory_space<hbm>> -> memref<1x1x2560xi32, #tpu.memory_space<hbm>>
    %dma_start3A_37 = tpu.memref_squeeze %dma_start3A_36 : memref<1x1x2560xi32, #tpu.memory_space<hbm>> -> memref<2560xi32, #tpu.memory_space<hbm>>
    %dma_start3A_38 = arith.constant 0 : i32
    %dma_start3A_39 = tpu.memref_slice %arg4[%select_n3A, %dma_start3A, %dma_start3A_38] : memref<2x1x2560xi32, #tpu.memory_space<hbm>> -> memref<1x1x2560xi32, #tpu.memory_space<hbm>>
    %dma_start3A_40 = tpu.memref_squeeze %dma_start3A_39 : memref<1x1x2560xi32, #tpu.memory_space<hbm>> -> memref<2560xi32, #tpu.memory_space<hbm>>
    tpu.enqueue_dma source(%dma_start3A_40 : memref<2560xi32, #tpu.memory_space<hbm>>) target(%arg6 : memref<2560xi32, #tpu.memory_space<vmem>>) target_semaphore(%arg10 : memref<!tpu.dma_semaphore, #tpu.memory_space<semaphore_mem>>)
    %dma_start3A_41 = arith.constant 0 : i32
    %dma_start3A_42 = tpu.memref_slice %arg2[%select_n3A, %mul3A_32, %dma_start3A_41] : memref<2x2560x3xf32, #tpu.memory_space<hbm>> -> memref<1x160x3xf32, #tpu.memory_space<hbm>>
    %dma_start3A_43 = tpu.memref_squeeze %dma_start3A_42 : memref<1x160x3xf32, #tpu.memory_space<hbm>> -> memref<160x3xf32, #tpu.memory_space<hbm>>
    %dma_start3A_44 = arith.constant 0 : i32
    %dma_start3A_45 = tpu.memref_slice %arg2[%select_n3A, %mul3A_32, %dma_start3A_44] : memref<2x2560x3xf32, #tpu.memory_space<hbm>> -> memref<1x160x3xf32, #tpu.memory_space<hbm>>
    %dma_start3A_46 = tpu.memref_squeeze %dma_start3A_45 : memref<1x160x3xf32, #tpu.memory_space<hbm>> -> memref<160x3xf32, #tpu.memory_space<hbm>>
    tpu.enqueue_dma source(%dma_start3A_46 : memref<160x3xf32, #tpu.memory_space<hbm>>) target(%arg7 : memref<160x3xf32, #tpu.memory_space<vmem>>) target_semaphore(%arg10 : memref<!tpu.dma_semaphore, #tpu.memory_space<semaphore_mem>>)
    %dma_start3A_47 = arith.constant 0 : i32
    %dma_start3A_48 = arith.constant 0 : i32
    %dma_start3A_49 = tpu.memref_slice %arg3[%select_n3A, %dma_start3A_47, %dma_start3A_48] : memref<2x4x8192xf32, #tpu.memory_space<hbm>> -> memref<1x4x8192xf32, #tpu.memory_space<hbm>>
    %dma_start3A_50 = tpu.memref_squeeze %dma_start3A_49 : memref<1x4x8192xf32, #tpu.memory_space<hbm>> -> memref<4x8192xf32, #tpu.memory_space<hbm>>
    %dma_start3A_51 = arith.constant 0 : i32
    %dma_start3A_52 = arith.constant 0 : i32
    %dma_start3A_53 = tpu.memref_slice %arg3[%select_n3A, %dma_start3A_51, %dma_start3A_52] : memref<2x4x8192xf32, #tpu.memory_space<hbm>> -> memref<1x4x8192xf32, #tpu.memory_space<hbm>>
    %dma_start3A_54 = tpu.memref_squeeze %dma_start3A_53 : memref<1x4x8192xf32, #tpu.memory_space<hbm>> -> memref<4x8192xf32, #tpu.memory_space<hbm>>
    tpu.enqueue_dma source(%dma_start3A_54 : memref<4x8192xf32, #tpu.memory_space<hbm>>) target(%arg8 : memref<4x8192xf32, #tpu.memory_space<vmem>>) target_semaphore(%arg10 : memref<!tpu.dma_semaphore, #tpu.memory_space<semaphore_mem>>)
    %dma_wait3A = arith.constant 0 : i32
    %dma_wait3A_55 = arith.constant 0 : i32
    %dma_wait3A_56 = tpu.memref_slice %arg4[%select_n3A, %dma_wait3A, %dma_wait3A_55] : memref<2x1x2560xi32, #tpu.memory_space<hbm>> -> memref<1x1x2560xi32, #tpu.memory_space<hbm>>
    %dma_wait3A_57 = tpu.memref_squeeze %dma_wait3A_56 : memref<1x1x2560xi32, #tpu.memory_space<hbm>> -> memref<2560xi32, #tpu.memory_space<hbm>>
    %dma_wait3A_58 = arith.constant 0 : i32
    %dma_wait3A_59 = tpu.memref_slice %arg4[%select_n3A, %dma_wait3A, %dma_wait3A_58] : memref<2x1x2560xi32, #tpu.memory_space<hbm>> -> memref<1x1x2560xi32, #tpu.memory_space<hbm>>
    %dma_wait3A_60 = tpu.memref_squeeze %dma_wait3A_59 : memref<1x1x2560xi32, #tpu.memory_space<hbm>> -> memref<2560xi32, #tpu.memory_space<hbm>>
    tpu.wait_dma2 semaphore(%arg10 : memref<!tpu.dma_semaphore, #tpu.memory_space<semaphore_mem>>) src(%dma_wait3A_60 : memref<2560xi32, #tpu.memory_space<hbm>>) dst(%arg6 : memref<2560xi32, #tpu.memory_space<vmem>>)
    %dma_wait3A_61 = arith.constant 0 : i32
    %dma_wait3A_62 = tpu.memref_slice %arg2[%select_n3A, %mul3A_32, %dma_wait3A_61] : memref<2x2560x3xf32, #tpu.memory_space<hbm>> -> memref<1x160x3xf32, #tpu.memory_space<hbm>>
    %dma_wait3A_63 = tpu.memref_squeeze %dma_wait3A_62 : memref<1x160x3xf32, #tpu.memory_space<hbm>> -> memref<160x3xf32, #tpu.memory_space<hbm>>
    %dma_wait3A_64 = arith.constant 0 : i32
    %dma_wait3A_65 = tpu.memref_slice %arg2[%select_n3A, %mul3A_32, %dma_wait3A_64] : memref<2x2560x3xf32, #tpu.memory_space<hbm>> -> memref<1x160x3xf32, #tpu.memory_space<hbm>>
    %dma_wait3A_66 = tpu.memref_squeeze %dma_wait3A_65 : memref<1x160x3xf32, #tpu.memory_space<hbm>> -> memref<160x3xf32, #tpu.memory_space<hbm>>
    tpu.wait_dma2 semaphore(%arg10 : memref<!tpu.dma_semaphore, #tpu.memory_space<semaphore_mem>>) src(%dma_wait3A_66 : memref<160x3xf32, #tpu.memory_space<hbm>>) dst(%arg7 : memref<160x3xf32, #tpu.memory_space<vmem>>)
    %dma_wait3A_67 = arith.constant 0 : i32
    %dma_wait3A_68 = arith.constant 0 : i32
    %dma_wait3A_69 = tpu.memref_slice %arg3[%select_n3A, %dma_wait3A_67, %dma_wait3A_68] : memref<2x4x8192xf32, #tpu.memory_space<hbm>> -> memref<1x4x8192xf32, #tpu.memory_space<hbm>>
    %dma_wait3A_70 = tpu.memref_squeeze %dma_wait3A_69 : memref<1x4x8192xf32, #tpu.memory_space<hbm>> -> memref<4x8192xf32, #tpu.memory_space<hbm>>
    %dma_wait3A_71 = arith.constant 0 : i32
    %dma_wait3A_72 = arith.constant 0 : i32
    %dma_wait3A_73 = tpu.memref_slice %arg3[%select_n3A, %dma_wait3A_71, %dma_wait3A_72] : memref<2x4x8192xf32, #tpu.memory_space<hbm>> -> memref<1x4x8192xf32, #tpu.memory_space<hbm>>
    %dma_wait3A_74 = tpu.memref_squeeze %dma_wait3A_73 : memref<1x4x8192xf32, #tpu.memory_space<hbm>> -> memref<4x8192xf32, #tpu.memory_space<hbm>>
    tpu.wait_dma2 semaphore(%arg10 : memref<!tpu.dma_semaphore, #tpu.memory_space<semaphore_mem>>) src(%dma_wait3A_74 : memref<4x8192xf32, #tpu.memory_space<hbm>>) dst(%arg8 : memref<4x8192xf32, #tpu.memory_space<vmem>>)
    %iota3A = tpu.iota {dimensions = array<i32: 0>} : vector<16xi32>
    %broadcast_in_dim3A = arith.constant 0 : i32
    %broadcast_in_dim3A_75 = vector.broadcast %broadcast_in_dim3A : i32 to vector<16xi32>
    %broadcast_in_dim3A_76 = arith.constant 1 : i32
    %broadcast_in_dim3A_77 = vector.broadcast %broadcast_in_dim3A_76 : i32 to vector<16xi32>
    %broadcast_in_dim3A_78 = arith.constant 2 : i32
    %broadcast_in_dim3A_79 = vector.broadcast %broadcast_in_dim3A_78 : i32 to vector<16xi32>
    %broadcast_in_dim3A_80 = arith.constant 3 : i32
    %broadcast_in_dim3A_81 = vector.broadcast %broadcast_in_dim3A_80 : i32 to vector<16xi32>
    %broadcast_in_dim3A_82 = arith.constant 0.000000e+00 : f32
    %broadcast_in_dim3A_83 = vector.broadcast %broadcast_in_dim3A_82 : f32 to vector<16xf32>
    %add3A_84 = arith.constant 0 : i32
    %add3A_85 = arith.addi %mul3A_32, %add3A_84 : i32
    %add3A_86 = vector.broadcast %add3A_85 : i32 to vector<16xi32>
    %add3A_87 = arith.addi %iota3A, %add3A_86 : vector<16xi32>
    %gather3A = tpu.vector_load_idx %arg6[%add3A_87] : memref<2560xi32, #tpu.memory_space<vmem>>[vector<16xi32>], vector<16xi32>,
    %sub3A_88 = vector.broadcast %mul3A_34 : i32 to vector<16xi32>
    %sub3A_89 = arith.subi %gather3A, %sub3A_88 : vector<16xi32>
    %gather3A_90 = tpu.vector_load_idx %arg8[%broadcast_in_dim3A_75, %sub3A_89] : memref<4x8192xf32, #tpu.memory_space<vmem>>[vector<16xi32>, vector<16xi32>], vector<16xf32>,
    %gather3A_91 = tpu.vector_load_idx %arg8[%broadcast_in_dim3A_77, %sub3A_89] : memref<4x8192xf32, #tpu.memory_space<vmem>>[vector<16xi32>, vector<16xi32>], vector<16xf32>,
    %gather3A_92 = tpu.vector_load_idx %arg8[%broadcast_in_dim3A_79, %sub3A_89] : memref<4x8192xf32, #tpu.memory_space<vmem>>[vector<16xi32>, vector<16xi32>], vector<16xf32>,
    %gather3A_93 = tpu.vector_load_idx %arg8[%broadcast_in_dim3A_81, %sub3A_89] : memref<4x8192xf32, #tpu.memory_space<vmem>>[vector<16xi32>, vector<16xi32>], vector<16xf32>,
    %add3A_94 = arith.constant 0 : i32
    %add3A_95 = vector.broadcast %add3A_94 : i32 to vector<16xi32>
    %add3A_96 = arith.addi %iota3A, %add3A_95 : vector<16xi32>
    %gather3A_97 = tpu.vector_load_idx %arg7[%add3A_96, %broadcast_in_dim3A_75] : memref<160x3xf32, #tpu.memory_space<vmem>>[vector<16xi32>, vector<16xi32>], vector<16xf32>,
    %gather3A_98 = tpu.vector_load_idx %arg7[%add3A_96, %broadcast_in_dim3A_77] : memref<160x3xf32, #tpu.memory_space<vmem>>[vector<16xi32>, vector<16xi32>], vector<16xf32>,
    %gather3A_99 = tpu.vector_load_idx %arg7[%add3A_96, %broadcast_in_dim3A_79] : memref<160x3xf32, #tpu.memory_space<vmem>>[vector<16xi32>, vector<16xi32>], vector<16xf32>,
    %mul3A_100 = arith.mulf %gather3A_97, %gather3A_90 : vector<16xf32>
    %mul3A_101 = arith.mulf %gather3A_98, %gather3A_91 : vector<16xf32>
    %add3A_102 = arith.addf %mul3A_100, %mul3A_101 : vector<16xf32>
    %mul3A_103 = arith.mulf %gather3A_99, %gather3A_92 : vector<16xf32>
    %add3A_104 = arith.addf %add3A_102, %mul3A_103 : vector<16xf32>
    %sub3A_105 = arith.subf %add3A_104, %gather3A_93 : vector<16xf32>
    %neg3A = arith.constant 0.000000e+00 : f32
    %neg3A_106 = vector.broadcast %neg3A : f32 to vector<16xf32>
    %neg3A_107 = arith.subf %neg3A_106, %sub3A_105 : vector<16xf32>
    %max3A = arith.constant 0.000000e+00 : f32
    %max3A_108 = vector.broadcast %max3A : f32 to vector<16xf32>
    %max3A_109 = arith.maximumf %neg3A_107, %max3A_108 : vector<16xf32>
    %add3A_110 = arith.addf %broadcast_in_dim3A_83, %max3A_109 : vector<16xf32>
    %add3A_111 = arith.constant 16 : i32
    %add3A_112 = arith.addi %mul3A_32, %add3A_111 : i32
    %add3A_113 = vector.broadcast %add3A_112 : i32 to vector<16xi32>
    %add3A_114 = arith.addi %iota3A, %add3A_113 : vector<16xi32>
    %gather3A_115 = tpu.vector_load_idx %arg6[%add3A_114] : memref<2560xi32, #tpu.memory_space<vmem>>[vector<16xi32>], vector<16xi32>,
    %sub3A_116 = vector.broadcast %mul3A_34 : i32 to vector<16xi32>
    %sub3A_117 = arith.subi %gather3A_115, %sub3A_116 : vector<16xi32>
    %gather3A_118 = tpu.vector_load_idx %arg8[%broadcast_in_dim3A_75, %sub3A_117] : memref<4x8192xf32, #tpu.memory_space<vmem>>[vector<16xi32>, vector<16xi32>], vector<16xf32>,
    %gather3A_119 = tpu.vector_load_idx %arg8[%broadcast_in_dim3A_77, %sub3A_117] : memref<4x8192xf32, #tpu.memory_space<vmem>>[vector<16xi32>, vector<16xi32>], vector<16xf32>,
    %gather3A_120 = tpu.vector_load_idx %arg8[%broadcast_in_dim3A_79, %sub3A_117] : memref<4x8192xf32, #tpu.memory_space<vmem>>[vector<16xi32>, vector<16xi32>], vector<16xf32>,
    %gather3A_121 = tpu.vector_load_idx %arg8[%broadcast_in_dim3A_81, %sub3A_117] : memref<4x8192xf32, #tpu.memory_space<vmem>>[vector<16xi32>, vector<16xi32>], vector<16xf32>,
    %add3A_122 = arith.constant 16 : i32
    %add3A_123 = vector.broadcast %add3A_122 : i32 to vector<16xi32>
    %add3A_124 = arith.addi %iota3A, %add3A_123 : vector<16xi32>
    %gather3A_125 = tpu.vector_load_idx %arg7[%add3A_124, %broadcast_in_dim3A_75] : memref<160x3xf32, #tpu.memory_space<vmem>>[vector<16xi32>, vector<16xi32>], vector<16xf32>,
    %gather3A_126 = tpu.vector_load_idx %arg7[%add3A_124, %broadcast_in_dim3A_77] : memref<160x3xf32, #tpu.memory_space<vmem>>[vector<16xi32>, vector<16xi32>], vector<16xf32>,
    %gather3A_127 = tpu.vector_load_idx %arg7[%add3A_124, %broadcast_in_dim3A_79] : memref<160x3xf32, #tpu.memory_space<vmem>>[vector<16xi32>, vector<16xi32>], vector<16xf32>,
    %mul3A_128 = arith.mulf %gather3A_125, %gather3A_118 : vector<16xf32>
    %mul3A_129 = arith.mulf %gather3A_126, %gather3A_119 : vector<16xf32>
    %add3A_130 = arith.addf %mul3A_128, %mul3A_129 : vector<16xf32>
    %mul3A_131 = arith.mulf %gather3A_127, %gather3A_120 : vector<16xf32>
    %add3A_132 = arith.addf %add3A_130, %mul3A_131 : vector<16xf32>
    %sub3A_133 = arith.subf %add3A_132, %gather3A_121 : vector<16xf32>
    %neg3A_134 = arith.constant 0.000000e+00 : f32
    %neg3A_135 = vector.broadcast %neg3A_134 : f32 to vector<16xf32>
    %neg3A_136 = arith.subf %neg3A_135, %sub3A_133 : vector<16xf32>
    %max3A_137 = arith.constant 0.000000e+00 : f32
    %max3A_138 = vector.broadcast %max3A_137 : f32 to vector<16xf32>
    %max3A_139 = arith.maximumf %neg3A_136, %max3A_138 : vector<16xf32>
    %add3A_140 = arith.addf %add3A_110, %max3A_139 : vector<16xf32>
    %add3A_141 = arith.constant 32 : i32
    %add3A_142 = arith.addi %mul3A_32, %add3A_141 : i32
    %add3A_143 = vector.broadcast %add3A_142 : i32 to vector<16xi32>
    %add3A_144 = arith.addi %iota3A, %add3A_143 : vector<16xi32>
    %gather3A_145 = tpu.vector_load_idx %arg6[%add3A_144] : memref<2560xi32, #tpu.memory_space<vmem>>[vector<16xi32>], vector<16xi32>,
    %sub3A_146 = vector.broadcast %mul3A_34 : i32 to vector<16xi32>
    %sub3A_147 = arith.subi %gather3A_145, %sub3A_146 : vector<16xi32>
    %gather3A_148 = tpu.vector_load_idx %arg8[%broadcast_in_dim3A_75, %sub3A_147] : memref<4x8192xf32, #tpu.memory_space<vmem>>[vector<16xi32>, vector<16xi32>], vector<16xf32>,
    %gather3A_149 = tpu.vector_load_idx %arg8[%broadcast_in_dim3A_77, %sub3A_147] : memref<4x8192xf32, #tpu.memory_space<vmem>>[vector<16xi32>, vector<16xi32>], vector<16xf32>,
    %gather3A_150 = tpu.vector_load_idx %arg8[%broadcast_in_dim3A_79, %sub3A_147] : memref<4x8192xf32, #tpu.memory_space<vmem>>[vector<16xi32>, vector<16xi32>], vector<16xf32>,
    %gather3A_151 = tpu.vector_load_idx %arg8[%broadcast_in_dim3A_81, %sub3A_147] : memref<4x8192xf32, #tpu.memory_space<vmem>>[vector<16xi32>, vector<16xi32>], vector<16xf32>,
    %add3A_152 = arith.constant 32 : i32
    %add3A_153 = vector.broadcast %add3A_152 : i32 to vector<16xi32>
    %add3A_154 = arith.addi %iota3A, %add3A_153 : vector<16xi32>
    %gather3A_155 = tpu.vector_load_idx %arg7[%add3A_154, %broadcast_in_dim3A_75] : memref<160x3xf32, #tpu.memory_space<vmem>>[vector<16xi32>, vector<16xi32>], vector<16xf32>,
    %gather3A_156 = tpu.vector_load_idx %arg7[%add3A_154, %broadcast_in_dim3A_77] : memref<160x3xf32, #tpu.memory_space<vmem>>[vector<16xi32>, vector<16xi32>], vector<16xf32>,
    %gather3A_157 = tpu.vector_load_idx %arg7[%add3A_154, %broadcast_in_dim3A_79] : memref<160x3xf32, #tpu.memory_space<vmem>>[vector<16xi32>, vector<16xi32>], vector<16xf32>,
    %mul3A_158 = arith.mulf %gather3A_155, %gather3A_148 : vector<16xf32>
    %mul3A_159 = arith.mulf %gather3A_156, %gather3A_149 : vector<16xf32>
    %add3A_160 = arith.addf %mul3A_158, %mul3A_159 : vector<16xf32>
    %mul3A_161 = arith.mulf %gather3A_157, %gather3A_150 : vector<16xf32>
    %add3A_162 = arith.addf %add3A_160, %mul3A_161 : vector<16xf32>
    %sub3A_163 = arith.subf %add3A_162, %gather3A_151 : vector<16xf32>
    %neg3A_164 = arith.constant 0.000000e+00 : f32
    %neg3A_165 = vector.broadcast %neg3A_164 : f32 to vector<16xf32>
    %neg3A_166 = arith.subf %neg3A_165, %sub3A_163 : vector<16xf32>
    %max3A_167 = arith.constant 0.000000e+00 : f32
    %max3A_168 = vector.broadcast %max3A_167 : f32 to vector<16xf32>
    %max3A_169 = arith.maximumf %neg3A_166, %max3A_168 : vector<16xf32>
    %add3A_170 = arith.addf %add3A_140, %max3A_169 : vector<16xf32>
    %add3A_171 = arith.constant 48 : i32
    %add3A_172 = arith.addi %mul3A_32, %add3A_171 : i32
    %add3A_173 = vector.broadcast %add3A_172 : i32 to vector<16xi32>
    %add3A_174 = arith.addi %iota3A, %add3A_173 : vector<16xi32>
    %gather3A_175 = tpu.vector_load_idx %arg6[%add3A_174] : memref<2560xi32, #tpu.memory_space<vmem>>[vector<16xi32>], vector<16xi32>,
    %sub3A_176 = vector.broadcast %mul3A_34 : i32 to vector<16xi32>
    %sub3A_177 = arith.subi %gather3A_175, %sub3A_176 : vector<16xi32>
    %gather3A_178 = tpu.vector_load_idx %arg8[%broadcast_in_dim3A_75, %sub3A_177] : memref<4x8192xf32, #tpu.memory_space<vmem>>[vector<16xi32>, vector<16xi32>], vector<16xf32>,
    %gather3A_179 = tpu.vector_load_idx %arg8[%broadcast_in_dim3A_77, %sub3A_177] : memref<4x8192xf32, #tpu.memory_space<vmem>>[vector<16xi32>, vector<16xi32>], vector<16xf32>,
    %gather3A_180 = tpu.vector_load_idx %arg8[%broadcast_in_dim3A_79, %sub3A_177] : memref<4x8192xf32, #tpu.memory_space<vmem>>[vector<16xi32>, vector<16xi32>], vector<16xf32>,
    %gather3A_181 = tpu.vector_load_idx %arg8[%broadcast_in_dim3A_81, %sub3A_177] : memref<4x8192xf32, #tpu.memory_space<vmem>>[vector<16xi32>, vector<16xi32>], vector<16xf32>,
    %add3A_182 = arith.constant 48 : i32
    %add3A_183 = vector.broadcast %add3A_182 : i32 to vector<16xi32>
    %add3A_184 = arith.addi %iota3A, %add3A_183 : vector<16xi32>
    %gather3A_185 = tpu.vector_load_idx %arg7[%add3A_184, %broadcast_in_dim3A_75] : memref<160x3xf32, #tpu.memory_space<vmem>>[vector<16xi32>, vector<16xi32>], vector<16xf32>,
    %gather3A_186 = tpu.vector_load_idx %arg7[%add3A_184, %broadcast_in_dim3A_77] : memref<160x3xf32, #tpu.memory_space<vmem>>[vector<16xi32>, vector<16xi32>], vector<16xf32>,
    %gather3A_187 = tpu.vector_load_idx %arg7[%add3A_184, %broadcast_in_dim3A_79] : memref<160x3xf32, #tpu.memory_space<vmem>>[vector<16xi32>, vector<16xi32>], vector<16xf32>,
    %mul3A_188 = arith.mulf %gather3A_185, %gather3A_178 : vector<16xf32>
    %mul3A_189 = arith.mulf %gather3A_186, %gather3A_179 : vector<16xf32>
    %add3A_190 = arith.addf %mul3A_188, %mul3A_189 : vector<16xf32>
    %mul3A_191 = arith.mulf %gather3A_187, %gather3A_180 : vector<16xf32>
    %add3A_192 = arith.addf %add3A_190, %mul3A_191 : vector<16xf32>
    %sub3A_193 = arith.subf %add3A_192, %gather3A_181 : vector<16xf32>
    %neg3A_194 = arith.constant 0.000000e+00 : f32
    %neg3A_195 = vector.broadcast %neg3A_194 : f32 to vector<16xf32>
    %neg3A_196 = arith.subf %neg3A_195, %sub3A_193 : vector<16xf32>
    %max3A_197 = arith.constant 0.000000e+00 : f32
    %max3A_198 = vector.broadcast %max3A_197 : f32 to vector<16xf32>
    %max3A_199 = arith.maximumf %neg3A_196, %max3A_198 : vector<16xf32>
    %add3A_200 = arith.addf %add3A_170, %max3A_199 : vector<16xf32>
    %add3A_201 = arith.constant 64 : i32
    %add3A_202 = arith.addi %mul3A_32, %add3A_201 : i32
    %add3A_203 = vector.broadcast %add3A_202 : i32 to vector<16xi32>
    %add3A_204 = arith.addi %iota3A, %add3A_203 : vector<16xi32>
    %gather3A_205 = tpu.vector_load_idx %arg6[%add3A_204] : memref<2560xi32, #tpu.memory_space<vmem>>[vector<16xi32>], vector<16xi32>,
    %sub3A_206 = vector.broadcast %mul3A_34 : i32 to vector<16xi32>
    %sub3A_207 = arith.subi %gather3A_205, %sub3A_206 : vector<16xi32>
    %gather3A_208 = tpu.vector_load_idx %arg8[%broadcast_in_dim3A_75, %sub3A_207] : memref<4x8192xf32, #tpu.memory_space<vmem>>[vector<16xi32>, vector<16xi32>], vector<16xf32>,
    %gather3A_209 = tpu.vector_load_idx %arg8[%broadcast_in_dim3A_77, %sub3A_207] : memref<4x8192xf32, #tpu.memory_space<vmem>>[vector<16xi32>, vector<16xi32>], vector<16xf32>,
    %gather3A_210 = tpu.vector_load_idx %arg8[%broadcast_in_dim3A_79, %sub3A_207] : memref<4x8192xf32, #tpu.memory_space<vmem>>[vector<16xi32>, vector<16xi32>], vector<16xf32>,
    %gather3A_211 = tpu.vector_load_idx %arg8[%broadcast_in_dim3A_81, %sub3A_207] : memref<4x8192xf32, #tpu.memory_space<vmem>>[vector<16xi32>, vector<16xi32>], vector<16xf32>,
    %add3A_212 = arith.constant 64 : i32
    %add3A_213 = vector.broadcast %add3A_212 : i32 to vector<16xi32>
    %add3A_214 = arith.addi %iota3A, %add3A_213 : vector<16xi32>
    %gather3A_215 = tpu.vector_load_idx %arg7[%add3A_214, %broadcast_in_dim3A_75] : memref<160x3xf32, #tpu.memory_space<vmem>>[vector<16xi32>, vector<16xi32>], vector<16xf32>,
    %gather3A_216 = tpu.vector_load_idx %arg7[%add3A_214, %broadcast_in_dim3A_77] : memref<160x3xf32, #tpu.memory_space<vmem>>[vector<16xi32>, vector<16xi32>], vector<16xf32>,
    %gather3A_217 = tpu.vector_load_idx %arg7[%add3A_214, %broadcast_in_dim3A_79] : memref<160x3xf32, #tpu.memory_space<vmem>>[vector<16xi32>, vector<16xi32>], vector<16xf32>,
    %mul3A_218 = arith.mulf %gather3A_215, %gather3A_208 : vector<16xf32>
    %mul3A_219 = arith.mulf %gather3A_216, %gather3A_209 : vector<16xf32>
    %add3A_220 = arith.addf %mul3A_218, %mul3A_219 : vector<16xf32>
    %mul3A_221 = arith.mulf %gather3A_217, %gather3A_210 : vector<16xf32>
    %add3A_222 = arith.addf %add3A_220, %mul3A_221 : vector<16xf32>
    %sub3A_223 = arith.subf %add3A_222, %gather3A_211 : vector<16xf32>
    %neg3A_224 = arith.constant 0.000000e+00 : f32
    %neg3A_225 = vector.broadcast %neg3A_224 : f32 to vector<16xf32>
    %neg3A_226 = arith.subf %neg3A_225, %sub3A_223 : vector<16xf32>
    %max3A_227 = arith.constant 0.000000e+00 : f32
    %max3A_228 = vector.broadcast %max3A_227 : f32 to vector<16xf32>
    %max3A_229 = arith.maximumf %neg3A_226, %max3A_228 : vector<16xf32>
    %add3A_230 = arith.addf %add3A_200, %max3A_229 : vector<16xf32>
    %add3A_231 = arith.constant 80 : i32
    %add3A_232 = arith.addi %mul3A_32, %add3A_231 : i32
    %add3A_233 = vector.broadcast %add3A_232 : i32 to vector<16xi32>
    %add3A_234 = arith.addi %iota3A, %add3A_233 : vector<16xi32>
    %gather3A_235 = tpu.vector_load_idx %arg6[%add3A_234] : memref<2560xi32, #tpu.memory_space<vmem>>[vector<16xi32>], vector<16xi32>,
    %sub3A_236 = vector.broadcast %mul3A_34 : i32 to vector<16xi32>
    %sub3A_237 = arith.subi %gather3A_235, %sub3A_236 : vector<16xi32>
    %gather3A_238 = tpu.vector_load_idx %arg8[%broadcast_in_dim3A_75, %sub3A_237] : memref<4x8192xf32, #tpu.memory_space<vmem>>[vector<16xi32>, vector<16xi32>], vector<16xf32>,
    %gather3A_239 = tpu.vector_load_idx %arg8[%broadcast_in_dim3A_77, %sub3A_237] : memref<4x8192xf32, #tpu.memory_space<vmem>>[vector<16xi32>, vector<16xi32>], vector<16xf32>,
    %gather3A_240 = tpu.vector_load_idx %arg8[%broadcast_in_dim3A_79, %sub3A_237] : memref<4x8192xf32, #tpu.memory_space<vmem>>[vector<16xi32>, vector<16xi32>], vector<16xf32>,
    %gather3A_241 = tpu.vector_load_idx %arg8[%broadcast_in_dim3A_81, %sub3A_237] : memref<4x8192xf32, #tpu.memory_space<vmem>>[vector<16xi32>, vector<16xi32>], vector<16xf32>,
    %add3A_242 = arith.constant 80 : i32
    %add3A_243 = vector.broadcast %add3A_242 : i32 to vector<16xi32>
    %add3A_244 = arith.addi %iota3A, %add3A_243 : vector<16xi32>
    %gather3A_245 = tpu.vector_load_idx %arg7[%add3A_244, %broadcast_in_dim3A_75] : memref<160x3xf32, #tpu.memory_space<vmem>>[vector<16xi32>, vector<16xi32>], vector<16xf32>,
    %gather3A_246 = tpu.vector_load_idx %arg7[%add3A_244, %broadcast_in_dim3A_77] : memref<160x3xf32, #tpu.memory_space<vmem>>[vector<16xi32>, vector<16xi32>], vector<16xf32>,
    %gather3A_247 = tpu.vector_load_idx %arg7[%add3A_244, %broadcast_in_dim3A_79] : memref<160x3xf32, #tpu.memory_space<vmem>>[vector<16xi32>, vector<16xi32>], vector<16xf32>,
    %mul3A_248 = arith.mulf %gather3A_245, %gather3A_238 : vector<16xf32>
    %mul3A_249 = arith.mulf %gather3A_246, %gather3A_239 : vector<16xf32>
    %add3A_250 = arith.addf %mul3A_248, %mul3A_249 : vector<16xf32>
    %mul3A_251 = arith.mulf %gather3A_247, %gather3A_240 : vector<16xf32>
    %add3A_252 = arith.addf %add3A_250, %mul3A_251 : vector<16xf32>
    %sub3A_253 = arith.subf %add3A_252, %gather3A_241 : vector<16xf32>
    %neg3A_254 = arith.constant 0.000000e+00 : f32
    %neg3A_255 = vector.broadcast %neg3A_254 : f32 to vector<16xf32>
    %neg3A_256 = arith.subf %neg3A_255, %sub3A_253 : vector<16xf32>
    %max3A_257 = arith.constant 0.000000e+00 : f32
    %max3A_258 = vector.broadcast %max3A_257 : f32 to vector<16xf32>
    %max3A_259 = arith.maximumf %neg3A_256, %max3A_258 : vector<16xf32>
    %add3A_260 = arith.addf %add3A_230, %max3A_259 : vector<16xf32>
    %add3A_261 = arith.constant 96 : i32
    %add3A_262 = arith.addi %mul3A_32, %add3A_261 : i32
    %add3A_263 = vector.broadcast %add3A_262 : i32 to vector<16xi32>
    %add3A_264 = arith.addi %iota3A, %add3A_263 : vector<16xi32>
    %gather3A_265 = tpu.vector_load_idx %arg6[%add3A_264] : memref<2560xi32, #tpu.memory_space<vmem>>[vector<16xi32>], vector<16xi32>,
    %sub3A_266 = vector.broadcast %mul3A_34 : i32 to vector<16xi32>
    %sub3A_267 = arith.subi %gather3A_265, %sub3A_266 : vector<16xi32>
    %gather3A_268 = tpu.vector_load_idx %arg8[%broadcast_in_dim3A_75, %sub3A_267] : memref<4x8192xf32, #tpu.memory_space<vmem>>[vector<16xi32>, vector<16xi32>], vector<16xf32>,
    %gather3A_269 = tpu.vector_load_idx %arg8[%broadcast_in_dim3A_77, %sub3A_267] : memref<4x8192xf32, #tpu.memory_space<vmem>>[vector<16xi32>, vector<16xi32>], vector<16xf32>,
    %gather3A_270 = tpu.vector_load_idx %arg8[%broadcast_in_dim3A_79, %sub3A_267] : memref<4x8192xf32, #tpu.memory_space<vmem>>[vector<16xi32>, vector<16xi32>], vector<16xf32>,
    %gather3A_271 = tpu.vector_load_idx %arg8[%broadcast_in_dim3A_81, %sub3A_267] : memref<4x8192xf32, #tpu.memory_space<vmem>>[vector<16xi32>, vector<16xi32>], vector<16xf32>,
    %add3A_272 = arith.constant 96 : i32
    %add3A_273 = vector.broadcast %add3A_272 : i32 to vector<16xi32>
    %add3A_274 = arith.addi %iota3A, %add3A_273 : vector<16xi32>
    %gather3A_275 = tpu.vector_load_idx %arg7[%add3A_274, %broadcast_in_dim3A_75] : memref<160x3xf32, #tpu.memory_space<vmem>>[vector<16xi32>, vector<16xi32>], vector<16xf32>,
    %gather3A_276 = tpu.vector_load_idx %arg7[%add3A_274, %broadcast_in_dim3A_77] : memref<160x3xf32, #tpu.memory_space<vmem>>[vector<16xi32>, vector<16xi32>], vector<16xf32>,
    %gather3A_277 = tpu.vector_load_idx %arg7[%add3A_274, %broadcast_in_dim3A_79] : memref<160x3xf32, #tpu.memory_space<vmem>>[vector<16xi32>, vector<16xi32>], vector<16xf32>,
    %mul3A_278 = arith.mulf %gather3A_275, %gather3A_268 : vector<16xf32>
    %mul3A_279 = arith.mulf %gather3A_276, %gather3A_269 : vector<16xf32>
    %add3A_280 = arith.addf %mul3A_278, %mul3A_279 : vector<16xf32>
    %mul3A_281 = arith.mulf %gather3A_277, %gather3A_270 : vector<16xf32>
    %add3A_282 = arith.addf %add3A_280, %mul3A_281 : vector<16xf32>
    %sub3A_283 = arith.subf %add3A_282, %gather3A_271 : vector<16xf32>
    %neg3A_284 = arith.constant 0.000000e+00 : f32
    %neg3A_285 = vector.broadcast %neg3A_284 : f32 to vector<16xf32>
    %neg3A_286 = arith.subf %neg3A_285, %sub3A_283 : vector<16xf32>
    %max3A_287 = arith.constant 0.000000e+00 : f32
    %max3A_288 = vector.broadcast %max3A_287 : f32 to vector<16xf32>
    %max3A_289 = arith.maximumf %neg3A_286, %max3A_288 : vector<16xf32>
    %add3A_290 = arith.addf %add3A_260, %max3A_289 : vector<16xf32>
    %add3A_291 = arith.constant 112 : i32
    %add3A_292 = arith.addi %mul3A_32, %add3A_291 : i32
    %add3A_293 = vector.broadcast %add3A_292 : i32 to vector<16xi32>
    %add3A_294 = arith.addi %iota3A, %add3A_293 : vector<16xi32>
    %gather3A_295 = tpu.vector_load_idx %arg6[%add3A_294] : memref<2560xi32, #tpu.memory_space<vmem>>[vector<16xi32>], vector<16xi32>,
    %sub3A_296 = vector.broadcast %mul3A_34 : i32 to vector<16xi32>
    %sub3A_297 = arith.subi %gather3A_295, %sub3A_296 : vector<16xi32>
    %gather3A_298 = tpu.vector_load_idx %arg8[%broadcast_in_dim3A_75, %sub3A_297] : memref<4x8192xf32, #tpu.memory_space<vmem>>[vector<16xi32>, vector<16xi32>], vector<16xf32>,
    %gather3A_299 = tpu.vector_load_idx %arg8[%broadcast_in_dim3A_77, %sub3A_297] : memref<4x8192xf32, #tpu.memory_space<vmem>>[vector<16xi32>, vector<16xi32>], vector<16xf32>,
    %gather3A_300 = tpu.vector_load_idx %arg8[%broadcast_in_dim3A_79, %sub3A_297] : memref<4x8192xf32, #tpu.memory_space<vmem>>[vector<16xi32>, vector<16xi32>], vector<16xf32>,
    %gather3A_301 = tpu.vector_load_idx %arg8[%broadcast_in_dim3A_81, %sub3A_297] : memref<4x8192xf32, #tpu.memory_space<vmem>>[vector<16xi32>, vector<16xi32>], vector<16xf32>,
    %add3A_302 = arith.constant 112 : i32
    %add3A_303 = vector.broadcast %add3A_302 : i32 to vector<16xi32>
    %add3A_304 = arith.addi %iota3A, %add3A_303 : vector<16xi32>
    %gather3A_305 = tpu.vector_load_idx %arg7[%add3A_304, %broadcast_in_dim3A_75] : memref<160x3xf32, #tpu.memory_space<vmem>>[vector<16xi32>, vector<16xi32>], vector<16xf32>,
    %gather3A_306 = tpu.vector_load_idx %arg7[%add3A_304, %broadcast_in_dim3A_77] : memref<160x3xf32, #tpu.memory_space<vmem>>[vector<16xi32>, vector<16xi32>], vector<16xf32>,
    %gather3A_307 = tpu.vector_load_idx %arg7[%add3A_304, %broadcast_in_dim3A_79] : memref<160x3xf32, #tpu.memory_space<vmem>>[vector<16xi32>, vector<16xi32>], vector<16xf32>,
    %mul3A_308 = arith.mulf %gather3A_305, %gather3A_298 : vector<16xf32>
    %mul3A_309 = arith.mulf %gather3A_306, %gather3A_299 : vector<16xf32>
    %add3A_310 = arith.addf %mul3A_308, %mul3A_309 : vector<16xf32>
    %mul3A_311 = arith.mulf %gather3A_307, %gather3A_300 : vector<16xf32>
    %add3A_312 = arith.addf %add3A_310, %mul3A_311 : vector<16xf32>
    %sub3A_313 = arith.subf %add3A_312, %gather3A_301 : vector<16xf32>
    %neg3A_314 = arith.constant 0.000000e+00 : f32
    %neg3A_315 = vector.broadcast %neg3A_314 : f32 to vector<16xf32>
    %neg3A_316 = arith.subf %neg3A_315, %sub3A_313 : vector<16xf32>
    %max3A_317 = arith.constant 0.000000e+00 : f32
    %max3A_318 = vector.broadcast %max3A_317 : f32 to vector<16xf32>
    %max3A_319 = arith.maximumf %neg3A_316, %max3A_318 : vector<16xf32>
    %add3A_320 = arith.addf %add3A_290, %max3A_319 : vector<16xf32>
    %add3A_321 = arith.constant 128 : i32
    %add3A_322 = arith.addi %mul3A_32, %add3A_321 : i32
    %add3A_323 = vector.broadcast %add3A_322 : i32 to vector<16xi32>
    %add3A_324 = arith.addi %iota3A, %add3A_323 : vector<16xi32>
    %gather3A_325 = tpu.vector_load_idx %arg6[%add3A_324] : memref<2560xi32, #tpu.memory_space<vmem>>[vector<16xi32>], vector<16xi32>,
    %sub3A_326 = vector.broadcast %mul3A_34 : i32 to vector<16xi32>
    %sub3A_327 = arith.subi %gather3A_325, %sub3A_326 : vector<16xi32>
    %gather3A_328 = tpu.vector_load_idx %arg8[%broadcast_in_dim3A_75, %sub3A_327] : memref<4x8192xf32, #tpu.memory_space<vmem>>[vector<16xi32>, vector<16xi32>], vector<16xf32>,
    %gather3A_329 = tpu.vector_load_idx %arg8[%broadcast_in_dim3A_77, %sub3A_327] : memref<4x8192xf32, #tpu.memory_space<vmem>>[vector<16xi32>, vector<16xi32>], vector<16xf32>,
    %gather3A_330 = tpu.vector_load_idx %arg8[%broadcast_in_dim3A_79, %sub3A_327] : memref<4x8192xf32, #tpu.memory_space<vmem>>[vector<16xi32>, vector<16xi32>], vector<16xf32>,
    %gather3A_331 = tpu.vector_load_idx %arg8[%broadcast_in_dim3A_81, %sub3A_327] : memref<4x8192xf32, #tpu.memory_space<vmem>>[vector<16xi32>, vector<16xi32>], vector<16xf32>,
    %add3A_332 = arith.constant 128 : i32
    %add3A_333 = vector.broadcast %add3A_332 : i32 to vector<16xi32>
    %add3A_334 = arith.addi %iota3A, %add3A_333 : vector<16xi32>
    %gather3A_335 = tpu.vector_load_idx %arg7[%add3A_334, %broadcast_in_dim3A_75] : memref<160x3xf32, #tpu.memory_space<vmem>>[vector<16xi32>, vector<16xi32>], vector<16xf32>,
    %gather3A_336 = tpu.vector_load_idx %arg7[%add3A_334, %broadcast_in_dim3A_77] : memref<160x3xf32, #tpu.memory_space<vmem>>[vector<16xi32>, vector<16xi32>], vector<16xf32>,
    %gather3A_337 = tpu.vector_load_idx %arg7[%add3A_334, %broadcast_in_dim3A_79] : memref<160x3xf32, #tpu.memory_space<vmem>>[vector<16xi32>, vector<16xi32>], vector<16xf32>,
    %mul3A_338 = arith.mulf %gather3A_335, %gather3A_328 : vector<16xf32>
    %mul3A_339 = arith.mulf %gather3A_336, %gather3A_329 : vector<16xf32>
    %add3A_340 = arith.addf %mul3A_338, %mul3A_339 : vector<16xf32>
    %mul3A_341 = arith.mulf %gather3A_337, %gather3A_330 : vector<16xf32>
    %add3A_342 = arith.addf %add3A_340, %mul3A_341 : vector<16xf32>
    %sub3A_343 = arith.subf %add3A_342, %gather3A_331 : vector<16xf32>
    %neg3A_344 = arith.constant 0.000000e+00 : f32
    %neg3A_345 = vector.broadcast %neg3A_344 : f32 to vector<16xf32>
    %neg3A_346 = arith.subf %neg3A_345, %sub3A_343 : vector<16xf32>
    %max3A_347 = arith.constant 0.000000e+00 : f32
    %max3A_348 = vector.broadcast %max3A_347 : f32 to vector<16xf32>
    %max3A_349 = arith.maximumf %neg3A_346, %max3A_348 : vector<16xf32>
    %add3A_350 = arith.addf %add3A_320, %max3A_349 : vector<16xf32>
    %add3A_351 = arith.constant 144 : i32
    %add3A_352 = arith.addi %mul3A_32, %add3A_351 : i32
    %add3A_353 = vector.broadcast %add3A_352 : i32 to vector<16xi32>
    %add3A_354 = arith.addi %iota3A, %add3A_353 : vector<16xi32>
    %gather3A_355 = tpu.vector_load_idx %arg6[%add3A_354] : memref<2560xi32, #tpu.memory_space<vmem>>[vector<16xi32>], vector<16xi32>,
    %sub3A_356 = vector.broadcast %mul3A_34 : i32 to vector<16xi32>
    %sub3A_357 = arith.subi %gather3A_355, %sub3A_356 : vector<16xi32>
    %gather3A_358 = tpu.vector_load_idx %arg8[%broadcast_in_dim3A_75, %sub3A_357] : memref<4x8192xf32, #tpu.memory_space<vmem>>[vector<16xi32>, vector<16xi32>], vector<16xf32>,
    %gather3A_359 = tpu.vector_load_idx %arg8[%broadcast_in_dim3A_77, %sub3A_357] : memref<4x8192xf32, #tpu.memory_space<vmem>>[vector<16xi32>, vector<16xi32>], vector<16xf32>,
    %gather3A_360 = tpu.vector_load_idx %arg8[%broadcast_in_dim3A_79, %sub3A_357] : memref<4x8192xf32, #tpu.memory_space<vmem>>[vector<16xi32>, vector<16xi32>], vector<16xf32>,
    %gather3A_361 = tpu.vector_load_idx %arg8[%broadcast_in_dim3A_81, %sub3A_357] : memref<4x8192xf32, #tpu.memory_space<vmem>>[vector<16xi32>, vector<16xi32>], vector<16xf32>,
    %add3A_362 = arith.constant 144 : i32
    %add3A_363 = vector.broadcast %add3A_362 : i32 to vector<16xi32>
    %add3A_364 = arith.addi %iota3A, %add3A_363 : vector<16xi32>
    %gather3A_365 = tpu.vector_load_idx %arg7[%add3A_364, %broadcast_in_dim3A_75] : memref<160x3xf32, #tpu.memory_space<vmem>>[vector<16xi32>, vector<16xi32>], vector<16xf32>,
    %gather3A_366 = tpu.vector_load_idx %arg7[%add3A_364, %broadcast_in_dim3A_77] : memref<160x3xf32, #tpu.memory_space<vmem>>[vector<16xi32>, vector<16xi32>], vector<16xf32>,
    %gather3A_367 = tpu.vector_load_idx %arg7[%add3A_364, %broadcast_in_dim3A_79] : memref<160x3xf32, #tpu.memory_space<vmem>>[vector<16xi32>, vector<16xi32>], vector<16xf32>,
    %mul3A_368 = arith.mulf %gather3A_365, %gather3A_358 : vector<16xf32>
    %mul3A_369 = arith.mulf %gather3A_366, %gather3A_359 : vector<16xf32>
    %add3A_370 = arith.addf %mul3A_368, %mul3A_369 : vector<16xf32>
    %mul3A_371 = arith.mulf %gather3A_367, %gather3A_360 : vector<16xf32>
    %add3A_372 = arith.addf %add3A_370, %mul3A_371 : vector<16xf32>
    %sub3A_373 = arith.subf %add3A_372, %gather3A_361 : vector<16xf32>
    %neg3A_374 = arith.constant 0.000000e+00 : f32
    %neg3A_375 = vector.broadcast %neg3A_374 : f32 to vector<16xf32>
    %neg3A_376 = arith.subf %neg3A_375, %sub3A_373 : vector<16xf32>
    %max3A_377 = arith.constant 0.000000e+00 : f32
    %max3A_378 = vector.broadcast %max3A_377 : f32 to vector<16xf32>
    %max3A_379 = arith.maximumf %neg3A_376, %max3A_378 : vector<16xf32>
    %add3A_380 = arith.addf %add3A_350, %max3A_379 : vector<16xf32>
    %swap3A = arith.constant 0 : index
    %swap3A_381 = tpu.vector_load %arg9[%swap3A] {strides = array<i32>} : memref<16xf32, #tpu.memory_space<vmem>>, vector<16xf32>,
    tpu.vector_store %arg9[%swap3A], %add3A_380 {strides = array<i32>} : memref<16xf32, #tpu.memory_space<vmem>>, vector<16xf32>,
    %mul3A_382 = arith.constant 16 : i32
    %mul3A_383 = arith.muli %add3A, %mul3A_382 : i32
    "tpu.region"() ({
      %run_scoped3A = tpu.sem_alloc : memref<!tpu.dma_semaphore, #tpu.memory_space<semaphore_mem>>
      %dma_start3A_384 = tpu.memref_slice %arg5[%mul3A_383] : memref<512xf32, #tpu.memory_space<hbm>> -> memref<16xf32, #tpu.memory_space<hbm>>
      %dma_start3A_385 = tpu.memref_slice %arg5[%mul3A_383] : memref<512xf32, #tpu.memory_space<hbm>> -> memref<16xf32, #tpu.memory_space<hbm>>
      tpu.enqueue_dma source(%arg9 : memref<16xf32, #tpu.memory_space<vmem>>) target(%dma_start3A_385 : memref<16xf32, #tpu.memory_space<hbm>>) target_semaphore(%run_scoped3A : memref<!tpu.dma_semaphore, #tpu.memory_space<semaphore_mem>>)
      %dma_wait3A_386 = tpu.memref_slice %arg5[%mul3A_383] : memref<512xf32, #tpu.memory_space<hbm>> -> memref<16xf32, #tpu.memory_space<hbm>>
      %dma_wait3A_387 = tpu.memref_slice %arg5[%mul3A_383] : memref<512xf32, #tpu.memory_space<hbm>> -> memref<16xf32, #tpu.memory_space<hbm>>
      tpu.wait_dma2 semaphore(%run_scoped3A : memref<!tpu.dma_semaphore, #tpu.memory_space<semaphore_mem>>) src(%arg9 : memref<16xf32, #tpu.memory_space<vmem>>) dst(%dma_wait3A_387 : memref<16xf32, #tpu.memory_space<hbm>>)
      tpu.yield
    }) : () -> ()
    return
  }
}

module attributes {stable_mosaic.version = 14 : i64} {
  func.func @_knn_body(%arg0: i32, %arg1: i32, %arg2: memref<1x1280x3xf32, #tpu.memory_space<vmem>>, %arg3: memref<1x1x1280xf32, #tpu.memory_space<vmem>>, %arg4: memref<1x3x8192xf32, #tpu.memory_space<vmem>>, %arg5: memref<1x1x8192xf32, #tpu.memory_space<vmem>>, %arg6: memref<1x3x8192xf32, #tpu.memory_space<vmem>>, %arg7: memref<1x1x1280xi32, #tpu.memory_space<vmem>>, %arg8: memref<1x4x8192xf32, #tpu.memory_space<vmem>>, %arg9: memref<1280x8192xf32, #tpu.memory_space<vmem>>) attributes {dimension_semantics = [#tpu.dimension_semantics<arbitrary>, #tpu.dimension_semantics<arbitrary>], iteration_bounds = array<i64: 2, 2>, scalar_prefetch = 0 : i64, scratch_operands = 1 : i64, tpu.core_type = #tpu.core_type<tc>, window_params = [{transform_indices = @transform_0, window_bounds = array<i64: 1, 1280, 3>}, {transform_indices = @transform_1, window_bounds = array<i64: 1, 1, 1280>}, {transform_indices = @transform_2, window_bounds = array<i64: 1, 3, 8192>}, {transform_indices = @transform_3, window_bounds = array<i64: 1, 1, 8192>}, {transform_indices = @transform_4, window_bounds = array<i64: 1, 3, 8192>}, {transform_indices = @transform_5, window_bounds = array<i64: 1, 1, 1280>}, {transform_indices = @transform_6, window_bounds = array<i64: 1, 4, 8192>}]} {
    %get3A = arith.constant 0 : index
    %get3A_0 = arith.constant 0 : index
    %get3A_1 = arith.constant 0 : index
    %get3A_2 = vector.load %arg4[%get3A, %get3A_0, %get3A_1] : memref<1x3x8192xf32, #tpu.memory_space<vmem>>, vector<1x1x8192xf32>
    %get3A_3 = vector.shape_cast %get3A_2 : vector<1x1x8192xf32> to vector<8192xf32>
    %get3A_4 = arith.constant 0 : index
    %get3A_5 = arith.constant 1 : index
    %get3A_6 = arith.constant 0 : index
    %get3A_7 = vector.load %arg4[%get3A_4, %get3A_5, %get3A_6] : memref<1x3x8192xf32, #tpu.memory_space<vmem>>, vector<1x1x8192xf32>
    %get3A_8 = vector.shape_cast %get3A_7 : vector<1x1x8192xf32> to vector<8192xf32>
    %get3A_9 = arith.constant 0 : index
    %get3A_10 = arith.constant 2 : index
    %get3A_11 = arith.constant 0 : index
    %get3A_12 = vector.load %arg4[%get3A_9, %get3A_10, %get3A_11] : memref<1x3x8192xf32, #tpu.memory_space<vmem>>, vector<1x1x8192xf32>
    %get3A_13 = vector.shape_cast %get3A_12 : vector<1x1x8192xf32> to vector<8192xf32>
    %get3A_14 = arith.constant 0 : index
    %get3A_15 = arith.constant 0 : index
    %get3A_16 = arith.constant 0 : index
    %get3A_17 = vector.load %arg6[%get3A_14, %get3A_15, %get3A_16] : memref<1x3x8192xf32, #tpu.memory_space<vmem>>, vector<1x1x8192xf32>
    %get3A_18 = vector.shape_cast %get3A_17 : vector<1x1x8192xf32> to vector<8192xf32>
    %get3A_19 = arith.constant 0 : index
    %get3A_20 = arith.constant 1 : index
    %get3A_21 = arith.constant 0 : index
    %get3A_22 = vector.load %arg6[%get3A_19, %get3A_20, %get3A_21] : memref<1x3x8192xf32, #tpu.memory_space<vmem>>, vector<1x1x8192xf32>
    %get3A_23 = vector.shape_cast %get3A_22 : vector<1x1x8192xf32> to vector<8192xf32>
    %get3A_24 = arith.constant 0 : index
    %get3A_25 = arith.constant 2 : index
    %get3A_26 = arith.constant 0 : index
    %get3A_27 = vector.load %arg6[%get3A_24, %get3A_25, %get3A_26] : memref<1x3x8192xf32, #tpu.memory_space<vmem>>, vector<1x1x8192xf32>
    %get3A_28 = vector.shape_cast %get3A_27 : vector<1x1x8192xf32> to vector<8192xf32>
    %swap3A = arith.constant 0 : index
    %swap3A_29 = arith.constant 0 : index
    %swap3A_30 = arith.constant 0 : index
    %swap3A_31 = vector.load %arg8[%swap3A, %swap3A_29, %swap3A_30] : memref<1x4x8192xf32, #tpu.memory_space<vmem>>, vector<1x1x8192xf32>
    %swap3A_32 = vector.shape_cast %swap3A_31 : vector<1x1x8192xf32> to vector<8192xf32>
    %swap3A_33 = vector.shape_cast %get3A_18 : vector<8192xf32> to vector<1x1x8192xf32>
    tpu.vector_store %arg8[%swap3A, %swap3A_29, %swap3A_30], %swap3A_33 {strides = array<i32>} : memref<1x4x8192xf32, #tpu.memory_space<vmem>>, vector<1x1x8192xf32>,
    %swap3A_34 = arith.constant 0 : index
    %swap3A_35 = arith.constant 1 : index
    %swap3A_36 = arith.constant 0 : index
    %swap3A_37 = vector.load %arg8[%swap3A_34, %swap3A_35, %swap3A_36] : memref<1x4x8192xf32, #tpu.memory_space<vmem>>, vector<1x1x8192xf32>
    %swap3A_38 = vector.shape_cast %swap3A_37 : vector<1x1x8192xf32> to vector<8192xf32>
    %swap3A_39 = vector.shape_cast %get3A_23 : vector<8192xf32> to vector<1x1x8192xf32>
    tpu.vector_store %arg8[%swap3A_34, %swap3A_35, %swap3A_36], %swap3A_39 {strides = array<i32>} : memref<1x4x8192xf32, #tpu.memory_space<vmem>>, vector<1x1x8192xf32>,
    %swap3A_40 = arith.constant 0 : index
    %swap3A_41 = arith.constant 2 : index
    %swap3A_42 = arith.constant 0 : index
    %swap3A_43 = vector.load %arg8[%swap3A_40, %swap3A_41, %swap3A_42] : memref<1x4x8192xf32, #tpu.memory_space<vmem>>, vector<1x1x8192xf32>
    %swap3A_44 = vector.shape_cast %swap3A_43 : vector<1x1x8192xf32> to vector<8192xf32>
    %swap3A_45 = vector.shape_cast %get3A_28 : vector<8192xf32> to vector<1x1x8192xf32>
    tpu.vector_store %arg8[%swap3A_40, %swap3A_41, %swap3A_42], %swap3A_45 {strides = array<i32>} : memref<1x4x8192xf32, #tpu.memory_space<vmem>>, vector<1x1x8192xf32>,
    %mul3A = arith.mulf %get3A_3, %get3A_18 : vector<8192xf32>
    %mul3A_46 = arith.mulf %get3A_8, %get3A_23 : vector<8192xf32>
    %add3A = arith.addf %mul3A, %mul3A_46 : vector<8192xf32>
    %mul3A_47 = arith.mulf %get3A_13, %get3A_28 : vector<8192xf32>
    %add3A_48 = arith.addf %add3A, %mul3A_47 : vector<8192xf32>
    %mul3A_49 = arith.mulf %get3A_18, %get3A_18 : vector<8192xf32>
    %mul3A_50 = arith.mulf %get3A_23, %get3A_23 : vector<8192xf32>
    %add3A_51 = arith.addf %mul3A_49, %mul3A_50 : vector<8192xf32>
    %mul3A_52 = arith.mulf %get3A_28, %get3A_28 : vector<8192xf32>
    %add3A_53 = arith.addf %add3A_51, %mul3A_52 : vector<8192xf32>
    %mul3A_54 = arith.constant 0.00999999977 : f32
    %mul3A_55 = vector.broadcast %mul3A_54 : f32 to vector<8192xf32>
    %mul3A_56 = arith.mulf %mul3A_55, %add3A_53 : vector<8192xf32>
    %add3A_57 = arith.addf %add3A_48, %mul3A_56 : vector<8192xf32>
    %swap3A_58 = arith.constant 0 : index
    %swap3A_59 = arith.constant 3 : index
    %swap3A_60 = arith.constant 0 : index
    %swap3A_61 = vector.load %arg8[%swap3A_58, %swap3A_59, %swap3A_60] : memref<1x4x8192xf32, #tpu.memory_space<vmem>>, vector<1x1x8192xf32>
    %swap3A_62 = vector.shape_cast %swap3A_61 : vector<1x1x8192xf32> to vector<8192xf32>
    %swap3A_63 = vector.shape_cast %add3A_57 : vector<8192xf32> to vector<1x1x8192xf32>
    tpu.vector_store %arg8[%swap3A_58, %swap3A_59, %swap3A_60], %swap3A_63 {strides = array<i32>} : memref<1x4x8192xf32, #tpu.memory_space<vmem>>, vector<1x1x8192xf32>,
    %get3A_64 = arith.constant 0 : index
    %get3A_65 = arith.constant 0 : index
    %get3A_66 = arith.constant 0 : index
    %get3A_67 = vector.load %arg2[%get3A_64, %get3A_65, %get3A_66] : memref<1x1280x3xf32, #tpu.memory_space<vmem>>, vector<1x1280x3xf32>
    %get3A_68 = vector.shape_cast %get3A_67 : vector<1x1280x3xf32> to vector<1280x3xf32>
    %convert_element_type3A = arith.truncf %get3A_68 : vector<1280x3xf32> to vector<1280x3xbf16>
    %get3A_69 = arith.constant 0 : index
    %get3A_70 = arith.constant 0 : index
    %get3A_71 = arith.constant 0 : index
    %get3A_72 = vector.load %arg3[%get3A_69, %get3A_70, %get3A_71] : memref<1x1x1280xf32, #tpu.memory_space<vmem>>, vector<1x1x1280xf32>
    %get3A_73 = vector.shape_cast %get3A_72 : vector<1x1x1280xf32> to vector<1280xf32>
    %reshape3A = vector.shape_cast %get3A_73 : vector<1280xf32> to vector<1280x1xf32>
    %get3A_74 = arith.constant 0 : index
    %get3A_75 = arith.constant 0 : index
    %get3A_76 = arith.constant 0 : index
    %get3A_77 = vector.load %arg4[%get3A_74, %get3A_75, %get3A_76] : memref<1x3x8192xf32, #tpu.memory_space<vmem>>, vector<1x3x4096xf32>
    %get3A_78 = vector.shape_cast %get3A_77 : vector<1x3x4096xf32> to vector<3x4096xf32>
    %convert_element_type3A_79 = arith.truncf %get3A_78 : vector<3x4096xf32> to vector<3x4096xbf16>
    %get3A_80 = arith.constant 0 : index
    %get3A_81 = arith.constant 0 : index
    %get3A_82 = arith.constant 0 : index
    %get3A_83 = vector.load %arg5[%get3A_80, %get3A_81, %get3A_82] : memref<1x1x8192xf32, #tpu.memory_space<vmem>>, vector<1x1x4096xf32>
    %get3A_84 = vector.shape_cast %get3A_83 : vector<1x1x4096xf32> to vector<4096xf32>
    %reshape3A_85 = vector.shape_cast %get3A_84 : vector<4096xf32> to vector<1x4096xf32>
    %dot_general3A = arith.constant dense<0.000000e+00> : vector<1280x4096xf32>
    %dot_general3A_86 = tpu.matmul %convert_element_type3A, %convert_element_type3A_79, %dot_general3A {dimension_numbers = #tpu.dot_dimension_numbers<[1], [0], [0], [1], [0, 0, 1, 1], [], []>, transpose_lhs_hint = false} : vector<1280x3xbf16>, vector<3x4096xbf16>, vector<1280x4096xf32> -> vector<1280x4096xf32>
    %add3A_87 = vector.broadcast %reshape3A : vector<1280x1xf32> to vector<1280x4096xf32>
    %add3A_88 = vector.broadcast %reshape3A_85 : vector<1x4096xf32> to vector<1280x4096xf32>
    %add3A_89 = arith.addf %add3A_87, %add3A_88 : vector<1280x4096xf32>
    %add3A_90 = arith.addf %add3A_89, %dot_general3A_86 : vector<1280x4096xf32>
    %swap3A_91 = arith.constant 0 : index
    %swap3A_92 = arith.constant 0 : index
    %swap3A_93 = vector.load %arg9[%swap3A_91, %swap3A_92] : memref<1280x8192xf32, #tpu.memory_space<vmem>>, vector<1280x4096xf32>
    tpu.vector_store %arg9[%swap3A_91, %swap3A_92], %add3A_90 {strides = array<i32>} : memref<1280x8192xf32, #tpu.memory_space<vmem>>, vector<1280x4096xf32>,
    %get3A_94 = arith.constant 0 : index
    %get3A_95 = arith.constant 0 : index
    %get3A_96 = arith.constant 4096 : index
    %get3A_97 = vector.load %arg4[%get3A_94, %get3A_95, %get3A_96] : memref<1x3x8192xf32, #tpu.memory_space<vmem>>, vector<1x3x4096xf32>
    %get3A_98 = vector.shape_cast %get3A_97 : vector<1x3x4096xf32> to vector<3x4096xf32>
    %convert_element_type3A_99 = arith.truncf %get3A_98 : vector<3x4096xf32> to vector<3x4096xbf16>
    %get3A_100 = arith.constant 0 : index
    %get3A_101 = arith.constant 0 : index
    %get3A_102 = arith.constant 4096 : index
    %get3A_103 = vector.load %arg5[%get3A_100, %get3A_101, %get3A_102] : memref<1x1x8192xf32, #tpu.memory_space<vmem>>, vector<1x1x4096xf32>
    %get3A_104 = vector.shape_cast %get3A_103 : vector<1x1x4096xf32> to vector<4096xf32>
    %reshape3A_105 = vector.shape_cast %get3A_104 : vector<4096xf32> to vector<1x4096xf32>
    %dot_general3A_106 = arith.constant dense<0.000000e+00> : vector<1280x4096xf32>
    %dot_general3A_107 = tpu.matmul %convert_element_type3A, %convert_element_type3A_99, %dot_general3A_106 {dimension_numbers = #tpu.dot_dimension_numbers<[1], [0], [0], [1], [0, 0, 1, 1], [], []>, transpose_lhs_hint = false} : vector<1280x3xbf16>, vector<3x4096xbf16>, vector<1280x4096xf32> -> vector<1280x4096xf32>
    %add3A_108 = vector.broadcast %reshape3A : vector<1280x1xf32> to vector<1280x4096xf32>
    %add3A_109 = vector.broadcast %reshape3A_105 : vector<1x4096xf32> to vector<1280x4096xf32>
    %add3A_110 = arith.addf %add3A_108, %add3A_109 : vector<1280x4096xf32>
    %add3A_111 = arith.addf %add3A_110, %dot_general3A_107 : vector<1280x4096xf32>
    %swap3A_112 = arith.constant 0 : index
    %swap3A_113 = arith.constant 4096 : index
    %swap3A_114 = vector.load %arg9[%swap3A_112, %swap3A_113] : memref<1280x8192xf32, #tpu.memory_space<vmem>>, vector<1280x4096xf32>
    tpu.vector_store %arg9[%swap3A_112, %swap3A_113], %add3A_111 {strides = array<i32>} : memref<1280x8192xf32, #tpu.memory_space<vmem>>, vector<1280x4096xf32>,
    %get3A_115 = arith.constant 0 : index
    %get3A_116 = arith.constant 0 : index
    %get3A_117 = vector.load %arg9[%get3A_115, %get3A_116] : memref<1280x8192xf32, #tpu.memory_space<vmem>>, vector<1280x8192xf32>
    %argmin3A = tpu.reduce_index %get3A_117 {axis = 1 : i32, kind = #tpu.reduction_kind<arg_min>} : vector<1280x8192xf32> -> vector<1280xi32>
    %mul3A_118 = arith.constant 8192 : i32
    %mul3A_119 = arith.muli %arg0, %mul3A_118 : i32
    %add3A_120 = vector.broadcast %mul3A_119 : i32 to vector<1280xi32>
    %add3A_121 = arith.addi %argmin3A, %add3A_120 : vector<1280xi32>
    %swap3A_122 = arith.constant 0 : index
    %swap3A_123 = arith.constant 0 : index
    %swap3A_124 = arith.constant 0 : index
    %swap3A_125 = vector.load %arg7[%swap3A_122, %swap3A_123, %swap3A_124] : memref<1x1x1280xi32, #tpu.memory_space<vmem>>, vector<1x1x1280xi32>
    %swap3A_126 = vector.shape_cast %swap3A_125 : vector<1x1x1280xi32> to vector<1280xi32>
    %swap3A_127 = vector.shape_cast %add3A_121 : vector<1280xi32> to vector<1x1x1280xi32>
    tpu.vector_store %arg7[%swap3A_122, %swap3A_123, %swap3A_124], %swap3A_127 {strides = array<i32>} : memref<1x1x1280xi32, #tpu.memory_space<vmem>>, vector<1x1x1280xi32>,
    return
  }
  func.func @transform_0(%arg0: i32, %arg1: i32) -> (i32, i32, i32) {
    %c0_i32 = arith.constant 0 : i32
    %c0_i32_0 = arith.constant 0 : i32
    return %arg0, %arg1, %c0_i32 : i32, i32, i32
  }
  func.func @transform_1(%arg0: i32, %arg1: i32) -> (i32, i32, i32) {
    %c0_i32 = arith.constant 0 : i32
    %c0_i32_0 = arith.constant 0 : i32
    return %arg0, %c0_i32, %arg1 : i32, i32, i32
  }
  func.func @transform_2(%arg0: i32, %arg1: i32) -> (i32, i32, i32) {
    %c0_i32 = arith.constant 0 : i32
    %c0_i32_0 = arith.constant 0 : i32
    %c0_i32_1 = arith.constant 0 : i32
    return %arg0, %c0_i32, %c0_i32_0 : i32, i32, i32
  }
  func.func @transform_3(%arg0: i32, %arg1: i32) -> (i32, i32, i32) {
    %c0_i32 = arith.constant 0 : i32
    %c0_i32_0 = arith.constant 0 : i32
    %c0_i32_1 = arith.constant 0 : i32
    return %arg0, %c0_i32, %c0_i32_0 : i32, i32, i32
  }
  func.func @transform_4(%arg0: i32, %arg1: i32) -> (i32, i32, i32) {
    %c0_i32 = arith.constant 0 : i32
    %c0_i32_0 = arith.constant 0 : i32
    %c0_i32_1 = arith.constant 0 : i32
    return %arg0, %c0_i32, %c0_i32_0 : i32, i32, i32
  }
  func.func @transform_5(%arg0: i32, %arg1: i32) -> (i32, i32, i32) {
    %c0_i32 = arith.constant 0 : i32
    %c0_i32_0 = arith.constant 0 : i32
    return %arg0, %c0_i32, %arg1 : i32, i32, i32
  }
  func.func @transform_6(%arg0: i32, %arg1: i32) -> (i32, i32, i32) {
    %c0_i32 = arith.constant 0 : i32
    %c0_i32_0 = arith.constant 0 : i32
    %c0_i32_1 = arith.constant 0 : i32
    return %arg0, %c0_i32, %c0_i32_0 : i32, i32, i32
  }
}

</mosaic_0001>

<sc_bundles>
// kernel: kernel.4.cloned.1.call-start
scs
__scs_entry_jumppad:
0x0: {  	(pc) =	sbr.rel $0x88, $3  }
0x1: {  	(tag) =	ssettag $0x0;
	lr =	simm.s32 $0x1  }
0x2: {  	[smem:$0x3F9E] =	sst lr;
	_ =	strace $0xD0000000  }
0x3: {  	_ = 	snop  }
0x4: {  	_ = 	snop  }
0x5: {  	_ = 	snop  }
0x6: {  	_ = 	snop  }
0x7: {  	_ = 	snop  }
__scs_overlays_trampoline_lowered:
0x8: {  	[smem:$0x3FAD] =	sst s0  }
0x9: {  	[smem:$0x3FAE] =	sst s1  }
0xa: {  	[smem:$0x3FAF] =	sst s2  }
0xb: {  	[smem:$0x3FB0] =	sst s3  }
0xc: {  	[smem:$0x3FB1] =	sst s4  }
0xd: {  	[smem:$0x3FB2] =	sst s5  }
0xe: {  	[smem:$0x3FB3] =	sst s6  }
0xf: {  	[smem:$0x3FB4] =	sst s7  }
0x10: {  	[smem:$0x3FB5] =	sst s8  }
0x11: {  	[smem:$0x3FB6] =	sst s9;
	s0 =	simm.s32 @!p0 $0x0  }
0x12: {  	s1 =	sld [smem:$0x3F9C];
	s0 =	simm.s32 @p0 $0x1  }
0x13: {  	[smem:$0x3FB7] =	sst s0;
	s0 =	simm.s32 @!p1 $0x0  }
0x14: {  	s2 =	sld [smem:$0x3F9B];
	s0 =	simm.s32 @p1 $0x1  }
0x15: {  	[smem:$0x3FB8] =	sst s0;
	s0 =	simm.s32 @!p2 $0x0  }
0x16: {  	s3 =	sld [smem:$0x3FDB];
	s0 =	simm.s32 @p2 $0x1  }
0x17: {  	s4 =	simm.s32 $0x1BF5;
	[smem:$0x3FBA] =	sst s0  }
0x18: {  	s0 =	sld [smem:$0x3F9D];
	_ =	swait.ge [sflag:s4], $0x0  }
0x19: {  	s7 =	sld [smem:$0x3F9E]  }
0x1a: {  	s8 =	sadd.s32 $0xFFFFE003, lr  }
0x1b: {  	s9 =	sadd.s32 $0xFFFFFEF7, lr;
	s5 =	simm.s32 $0xFFFFFFFF;
	p2 =	slt.u32 s8, $0xFFFFF086  }
0x1c: {  	p1 =	slt.u32 s9, $0xF7A;
	s5 =	simm.s32 @!p2 $0x0  }
0x1d: {  	s5 =	simm.s32 @p1 $0x1;
	p0 =	seq.s32 s7, s2  }
0x1e: {  	s7 =	smul.u32 @!p0 $0xF7A, s2;
	p2 =	seq.s32 @!p0 s5, $0x0  }
0x1f: {  	s9 =	smul.u32 $0xF7A, s1;
	s8 =	simm.s32 @!p0 $0x1BF5;
	p2 =	por !p2, p0  }
0x20: {  	[sflag:s8] =	ssyncset.s32 @!p0 $0xFFFFF086;
	s6 =	sadd.s32 @!p0 s3, s7;
	s7 =	simm.s32 @!p0 $0x108  }
0x21: {  	s3 =	sadd.s32 s3, s9;
	s6 =	sadd.s32 @!p0 $0x88, s6;
	s7 =	simm.s32 @p2 $0x1082  }
0x22: {  	[simem:s7], [sflag:s8] =	dma.local @!p0 [hbm:s6], $0xF7A  }
0x23: {  	s9 =	sor.u32 $0xD0000000, s2;
	s6 =	simm.s32 $0x108;
	_ =	swait.ge @!p0 [sflag:s8], $0x0  }
0x24: {  	s3 =	sadd.s32 $0x88, s3;
	s6 =	simm.s32 @!p1 $0x1082;
	[sflag:s4] =	ssyncset.s32 $0xFFFFF086  }
0x25: {  	[simem:s6], [sflag:s4] =	dma.local [hbm:s3], $0xF7A  }
0x26: {  	[smem:$0x3F9E] =	sst s1;
	(tag) =	ssettag s2;
	_ =	strace s9  }
0x27: {  	s1 =	sld [smem:$0x3FAE]  }
0x28: {  	s2 =	sld [smem:$0x3FAF]  }
0x29: {  	s4 =	sld [smem:$0x3FB1]  }
0x2a: {  	p0 =	seq.s32 s5, $0x0;
	s5 =	sld [smem:$0x3FB2]  }
0x2b: {  	s6 =	sld [smem:$0x3FB3]  }
0x2c: {  	s7 =	sld [smem:$0x3FB4]  }
0x2d: {  	s3 =	simm.s32 $0x108;
	s8 =	sld [smem:$0x3FB5]  }
0x2e: {  	s3 =	simm.s32 @!p0 $0x1082;
	s9 =	sld [smem:$0x3FB6]  }
0x2f: {  	lr =	sadd.s32 s0, s3;
	s0 =	sld [smem:$0x3FAD]  }
0x30: {  	s3 =	sld [smem:$0x3FB0]  }
0x31: {  	[smem:$0x3FB9] =	sst s10  }
0x32: {  	s10 =	sld [smem:$0x3FB7];
	_ =	sdelay $0x3  }
0x33: {  	p0 =	seq.s32 s10, $0x1;
	s10 =	sld [smem:$0x3FB9];
	_ =	sdelay $0x3  }
0x34: {  	[smem:$0x3FB9] =	sst s10  }
0x35: {  	s10 =	sld [smem:$0x3FB8];
	_ =	sdelay $0x3  }
0x36: {  	p1 =	seq.s32 s10, $0x1;
	s10 =	sld [smem:$0x3FB9];
	_ =	sdelay $0x3  }
0x37: {  	[smem:$0x3FB9] =	sst s10  }
0x38: {  	s10 =	sld [smem:$0x3FBA]  }
0x39: {  	_ = 	snop;
	(pc) =	sbr.ind lr, $3  }
0x3a: {  	_ = 	snop  }
0x3b: {  	_ = 	snop  }
0x3c: {  	p2 =	seq.s32 s10, $0x1;
	s10 =	sld [smem:$0x3FB9]  }
0x3d: {  	_ =	shalt  }
0x3e: {  	_ =	shalt  }
0x3f: {  	_ =	shalt  }
0x40: {  	_ =	shalt  }
0x41: {  	_ =	shalt  }
0x42: {  	_ =	shalt  }
0x43: {  	_ =	shalt  }
0x44: {  	_ =	shalt  }
0x45: {  	_ =	shalt  }
0x46: {  	_ =	shalt  }
0x47: {  	_ =	shalt  }
0x48: {  	_ =	shalt  }
0x49: {  	_ =	shalt  }
0x4a: {  	_ =	shalt  }
0x4b: {  	_ =	shalt  }
0x4c: {  	_ =	shalt  }
0x4d: {  	_ =	shalt  }
0x4e: {  	_ =	shalt  }
0x4f: {  	_ =	shalt  }
0x50: {  	_ =	shalt  }
0x51: {  	_ =	shalt  }
0x52: {  	_ =	shalt  }
0x53: {  	_ =	shalt  }
0x54: {  	_ =	shalt  }
0x55: {  	_ =	shalt  }
0x56: {  	_ =	shalt  }
0x57: {  	_ =	shalt  }
0x58: {  	_ =	shalt  }
0x59: {  	_ =	shalt  }
0x5a: {  	_ =	shalt  }
0x5b: {  	_ =	shalt  }
0x5c: {  	_ =	shalt  }
0x5d: {  	_ =	shalt  }
0x5e: {  	_ =	shalt  }
0x5f: {  	_ =	shalt  }
0x60: {  	_ =	shalt  }
0x61: {  	_ =	shalt  }
0x62: {  	_ =	shalt  }
0x63: {  	_ =	shalt  }
0x64: {  	_ =	shalt  }
0x65: {  	_ =	shalt  }
0x66: {  	_ =	shalt  }
0x67: {  	_ =	shalt  }
0x68: {  	_ =	shalt  }
0x69: {  	_ =	shalt  }
0x6a: {  	_ =	shalt  }
0x6b: {  	_ =	shalt  }
0x6c: {  	_ =	shalt  }
0x6d: {  	_ =	shalt  }
0x6e: {  	_ =	shalt  }
0x6f: {  	_ =	shalt  }
0x70: {  	_ =	shalt  }
0x71: {  	_ =	shalt  }
0x72: {  	_ =	shalt  }
0x73: {  	_ =	shalt  }
0x74: {  	_ =	shalt  }
0x75: {  	_ =	shalt  }
0x76: {  	_ =	shalt  }
0x77: {  	_ =	shalt  }
0x78: {  	_ =	shalt  }
0x79: {  	_ =	shalt  }
0x7a: {  	_ =	shalt  }
0x7b: {  	_ =	shalt  }
0x7c: {  	_ =	shalt  }
0x7d: {  	_ =	shalt  }
0x7e: {  	_ =	shalt  }
0x7f: {  	_ =	shalt  }
0x80: {  	_ =	shalt  }
0x81: {  	_ =	shalt  }
0x82: {  	_ =	shalt  }
0x83: {  	_ =	shalt  }
0x84: {  	_ =	shalt  }
0x85: {  	_ =	shalt  }
0x86: {  	_ =	shalt  }
0x87: {  	_ =	shalt  }
.Lfunc_end0:
.L_simem_size_0:
called_computation_lowered:
.L_overlay_start_0:
0x88: {  	s2 =	sld [smem:$0x3FD9]  }
0x89: {  	s3 =	sld [smem:$0x3FFE];
	_ =	sdelay $0x1  }
0x8a: {  	s1 =	srdreg.scid  }
0x8b: {  	s0 =	sand.u32 $0x1, s1  }
0x8c: {  	s16 =	sshll.u32 s0, $0xA;
	s2 =	sadd.s32 s3, s2  }
0x8d: {  	s2 =	sadd.s32 s2, s16  }
0x8e: {  	[smem:$0x3FC5] =	sst s2  }
0x8f: {  	_ = 	snop  }
0x90: {  	(tm) =	ssettm $0x1  }
0x91: {  	s17 =	sld [smem:$0x3FFB];
	_ =	sdelay $0x3  }
0x92: {  	_ =	strace s17  }
0x93: {  	s2 =	sld [smem:$0x3FFC];
	_ =	sdelay $0x3  }
0x94: {  	_ =	strace s2  }
0x95: {  	s2 =	sld [smem:$0x3FFD];
	_ =	sdelay $0x3  }
0x96: {  	_ =	strace s2  }
0x97: {  	_ =	strace $0x8FFFFFFF  }
0x98: {  	s18 =	sld [smem:$0x3FDB];
	_ =	sdelay $0x1  }
0x99: {  	s19 =	simm.s32 $_scs_section_size  }
0x9a: {  	s4 =	simm.s32 $_size__tile_overlayer_lowered;
	s5 =	simm.s32 $_tile_overlayer_lowered  }
0x9b: {  	s22 =	simm.s32 $0x1BFF;
	s21 =	sshll.u32 s5, $0x1;
	s2 =	sadd.s32 s19, s18  }
0x9c: {  	s6 =	simm.s32 $0x0;
	s20 =	sshll.u32 s4, $0x1;
	s4 =	sadd.s32 s21, s2  }
0x9d: {  	[timem:s6], [sflag:s22] =	dma.local [hbm:s4], s20  }
0x9e: {  	_ =	swait.ge [sflag:s22], s20  }
0x9f: {  	s3 =	ssub.s32 $0x0, s20;
	[sflag:s22] =	ssyncset.done $0x0  }
0xa0: {  	[sflag:s22] =	ssyncadd.s32 s3;
	_ =	sdelay $0x1  }
0xa1: {  	s23 =	simm.s32 $0x1B8B  }
0xa2: {  	_ =	swait.ge [sflag:s23], $0x1  }
0xa3: {  	[sflag:s23] =	ssyncset.done $0x0  }
0xa4: {  	s25 =	simm.s32 $0x1B8E;
	s24 =	sld [smem:$0x3FFE];
	[sflag:s23] =	ssyncadd.s32 $0xFFFFFFFF  }
0xa5: {  	s26 =	simm.s32 $execute0_lowered;
	[smem:$0x3FD2] =	sst s25  }
0xa6: {  	s4 =	sshll.u32 s26, $0x1;
	_ =	strace $0x80000046;
	[dreg:$0x1] =	wrdreg $0xFFFFFFFF  }
0xa7: {  	s28 =	simm.s32 $_size_execute0_lowered;
	s2 =	sadd.s32 s2, s4;
	[dreg:$0x0] =	wrdreg $0x0  }
0xa8: {  	s4 =	sshll.u32 s28, $0x1;
	[dreg:$0x2] =	wrdreg s2  }
0xa9: {  	[dreg:$0x3] =	wrdreg s4  }
0xaa: {  	[dreg:$0x4] =	wrdreg $0xC0  }
0xab: {  	_ =	task [dreg:s6], $0x5FFFF  }
0xac: {  	[dreg:$0x1] =	wrdreg $0xFFFFFFFF  }
0xad: {  	[dreg:$0x0] =	wrdreg $0x60  }
0xae: {  	[dreg:$0x2] =	wrdreg s24  }
0xaf: {  	[dreg:$0x3] =	wrdreg $0x9  }
0xb0: {  	_ =	task.clear_ibuf [dreg:s6], $0x4FFFF;
	_ =	strace $0x90000046  }
0xb1: {  	s29 =	simm.s32 $0x9;
	_ =	strace $0x80000048  }
0xb2: {  	_ =	swait.ge [sflag:s29], $0x1  }
0xb3: {  	[sflag:s29] =	ssyncadd.s32 $0xFFFFFFFF  }
0xb4: {  	_ =	strace $0x90000048  }
0xb5: {  	_ =	sfence  }
0xb6: {  	s30 =	sld [smem:$0x0];
	_ =	sdelay $0x2  }
0xb7: {  	s31 =	sshll.u32 s1, $0xD;
	s1 =	sshrl.u32 s1, $0x2  }
0xb8: {  	s3 =	sand.u32 $0x4000, s31;
	s1 =	sadd.s32 s1, s30  }
0xb9: {  	s0 =	sor.u32 s3, s0;
	s1 =	sshll.u32 s1, $0x11  }
0xba: {  	s0 =	sor.u32 s1, s0  }
0xbb: {  	s0 =	sadd.s32 $0x8F2B, s0  }
0xbc: {  	[sflag:s0] =	ssyncadd.remote.s32 $0x1  }
0xbd: {  	_ =	sfence.sel $0xFFFF  }
0xbe: {  	[dreg:$0x0] =	wrdreg $0xFFFFFFFF;
	(pc) =	sbr.abs _section_cstart, $3  }
0xbf: {  	[dreg:$0x1] =	wrdreg $0xFFFFFFFF  }
0xc0: {  	_ =	task.clear_ibuf [dreg:s6], $0x2FFFF;
	_ =	strace $0x9FFFFFFF  }
0xc1: {  	(tm) =	ssettm $0x7FFFFFFF  }
tec
execute0_lowered:
.L_overlay_start_1:
0x0: {  	(tag) =	ssettag $0x1  }
0x1: {  	s1 =	srdreg.scid;
	s0 =	stileid.u32  }
0x2: {  	s3 =	sand.u32 $0x1, s1;
	s20 =	sshll.u32 s0, $0x1  }
0x3: {  	s4 =	sor.u32 s3, s20  }
0x4: {  	s5 =	sand.u32 $0xF, s4  }
0x5: {  	s21 =	smul.u32 $0xA0, s5  }
0x6: {  	v11 =	vlaneseq.u32  }
0x7: {  	v0 =	vor.u32 s21, v11;
	s22 =	sor.u32 $0x10, s21  }
0x8: {  	s7 =	sadd.s32 $0x20, s21;
	[tilespmem:$0x1FEE0] =	vst v0;
	v0 =	vor.u32 s22, v11  }
0x9: {  	s8 =	sadd.s32 $0x30, s21;
	[tilespmem:$0x1FEF0] =	vst v0;
	v0 =	vor.u32 s7, v11  }
0xa: {  	s23 =	sadd.s32 $0x40, s21;
	[tilespmem:$0x1FF00] =	vst v0;
	v0 =	vor.u32 s8, v11  }
0xb: {  	s24 =	sadd.s32 $0x50, s21;
	[tilespmem:$0x1FF10] =	vst v0;
	v0 =	vor.u32 s23, v11  }
0xc: {  	s6 =	sshrl.u32 s0, $0x3;
	s25 =	sadd.s32 $0x60, s21;
	[tilespmem:$0x1FF20] =	vst v0;
	v0 =	vor.u32 s24, v11  }
0xd: {  	v7 =	vmul.u32 $0x80, v11;
	s2 =	sshll.u32 s6, $0xD;
	s26 =	sadd.s32 $0x70, s21;
	[tilespmem:$0x1FF30] =	vst v0;
	v0 =	vor.u32 s25, v11  }
0xe: {  	v1 =	vmov s2;
	s28 =	sadd.s32 $0x80, s21;
	[tilespmem:$0x1FF40] =	vst v0;
	v0 =	vor.u32 s26, v11  }
0xf: {  	v20 =	vor.u32 $0x1800, v7;
	v21 =	vor.u32 $0x1801, v7;
	s29 =	sadd.s32 $0x90, s21;
	[tilespmem:$0x1FF50] =	vst v0;
	v0 =	vor.u32 s28, v11  }
0x10: {  	s9 =	rddreg [dreg:$0x0];
	s10 =	smul.u32 $0x50000, s6;
	v22 =	vor.u32 $0x1802, v7;
	v23 =	vor.u32 $0x2000, v7;
	[tilespmem:$0x1FF60] =	vst v0;
	v0 =	vor.u32 s29, v11  }
0x11: {  	s11 =	simm.s32 $0xDA00;
	s30 =	sshll.u32 s6, $0xC;
	s6 =	smul.u32 $0x140, s6;
	v24 =	vor.u32 $0x2001, v7;
	v25 =	vor.u32 $0x2002, v7;
	[tilespmem:$0x1FF70] =	vst v0;
	v0 =	vor.u32 $0x1, v7  }
0x12: {  	s12 =	simm.s32 $0x2;
	s1 =	rddreg [dreg:$0x1];
	v26 =	vor.u32 $0x2800, v7;
	v27 =	vor.u32 $0x2801, v7;
	s5 =	smul.u32 $0x5000, s5;
	[tilespmem:$0x1FF80] =	vst v0;
	v0 =	vor.u32 $0x2, v7  }
0x13: {  	s3 =	ssub.s32 $0x2, s3;
	s2 =	simm.s32 $0x0;
	s4 =	sshll.u32 s4, $0x1;
	v28 =	vor.u32 $0x2802, v7;
	v29 =	vor.u32 $0x3000, v7;
	[tilespmem:$0x1FF90] =	vst v0;
	v0 =	vor.u32 $0x800, v7  }
0x14: {  	s31 =	sshrl.u32 s3, $0x1;
	v30 =	vor.u32 $0x3001, v7;
	v31 =	vor.u32 $0x3002, v7;
	[smem:$0x7FF] =	sst s2;
	s5 =	sadd.s32 s10, s5;
	[tilespmem:$0x1FFA0] =	vst v0;
	v0 =	vor.u32 $0x801, v7  }
0x15: {  	v32 =	vor.u32 $0x3800, v7;
	v33 =	vor.u32 $0x3801, v7;
	s6 =	sadd.s32 s6, s9;
	s10 =	simm.s32 $0x1;
	s5 =	sshrl.u32 s5, $0x3;
	[tilespmem:$0x1FFB0] =	vst v0;
	v0 =	vor.u32 $0x802, v7  }
0x16: {  	v34 =	vor.u32 $0x3802, v7;
	v35 =	vor.u32 $0x4000, v7;
	s5 =	sadd.s32 s5, s9;
	s7 =	sadd.s32 s30, s9;
	s9 =	sadd.s32 s4, s9;
	[tilespmem:$0x1FFC0] =	vst v0;
	v0 =	vor.u32 $0x1000, v7  }
0x17: {  	v36 =	vor.u32 $0x4001, v7;
	s8 =	ssub.s32 s3, s31;
	s3 =	sadd.s32 $0x16200, s6;
	_ =	strace $0x80000047;
	[tilespmem:$0x1FFD0] =	vst v0;
	v0 =	vor.u32 $0x1001, v7  }
0x18: {  	v37 =	vor.u32 $0x4002, v7;
	s4 =	sadd.s32 $0x200, s5;
	s5 =	sadd.s32 $0x14200, s7;
	s6 =	sadd.s32 $0x16600, s9;
	[tilespmem:$0x1FFE0] =	vst v0;
	v0 =	vor.u32 $0x1002, v7  }
0x19: {  	v38 =	vor.u32 $0x4800, v7;
	v39 =	vor.u32 $0x4801, v7;
	v40 =	vor.u32 $0x4802, v7;
	s9 =	simm.s32 $0x5A00;
	s7 =	smax.u32 s8, $0x1;
	s8 =	simm.s32 $0xA00;
	[tilespmem:$0x1FFF0] =	vst v0  }
.LBB2_1:
0x1a: {  	[tilespmem:s2], [sflag:$0x1] =	stream.linear.gather [hbm4b:s3+s2], $0xA00, $0x38;
	[tilespmem:$0xDA80] =	vst v63  }
0x1b: {  	_ = 	snop  }
0x1c: {  	[tilespmem:s8], [sflag:$0x1] =	stream.linear.gather [hbm4b:s4+s2], $0x5000, $0x38;
	[tilespmem:$0xDA80] =	vst v63  }
0x1d: {  	_ = 	snop  }
0x1e: {  	[tilespmem:s9], [sflag:$0x1] =	stream.linear.gather [hbm4b:s5+s2], $0x8000, $0x38;
	[tilespmem:$0xDA80] =	vst v63  }
0x1f: {  	_ =	swait.ge [sflag:s10], $0xA00  }
0x20: {  	[sflag:s10] =	ssyncset.done $0x0  }
0x21: {  	[sflag:s10] =	ssyncadd.s32 $0xFFFFF600  }
0x22: {  	_ =	swait.ge [sflag:s10], $0x5000  }
0x23: {  	[sflag:s10] =	ssyncset.done $0x0  }
0x24: {  	[sflag:s10] =	ssyncadd.s32 $0xFFFFB000  }
0x25: {  	_ =	swait.ge [sflag:s10], $0x8000  }
0x26: {  	v0 =	vld [tilespmem:$0x1FEE0];
	_ =	sdelay $0x5  }
0x27: {  	[sflag:s10] =	ssyncset.done $0x0  }
0x28: {  	[sflag:s10] =	ssyncadd.s32 $0xFFFF8000  }
0x29: {  	v41 =	vld.idx.msk [tilespmem:v0+s2+$0x0], $0xffff  }
0x2a: {  	v0 =	vld [tilespmem:$0x1FEF0];
	_ =	sdelay $0x7  }
0x2b: {  	v13 =	vld.idx.msk [tilespmem:v0+s2+$0x0], $0xffff  }
0x2c: {  	v0 =	vld [tilespmem:$0x1FF00];
	_ =	sdelay $0x7  }
0x2d: {  	v14 =	vld.idx.msk [tilespmem:v0+s2+$0x0], $0xffff  }
0x2e: {  	v0 =	vld [tilespmem:$0x1FF80];
	_ =	sdelay $0x7  }
0x2f: {  	v50 =	vld.idx.msk [tilespmem:v0+s8+$0x0], $0xffff  }
0x30: {  	v0 =	vld [tilespmem:$0x1FF90];
	_ =	sdelay $0x7  }
0x31: {  	v51 =	vld.idx.msk [tilespmem:v0+s8+$0x0], $0xffff  }
0x32: {  	v0 =	vld [tilespmem:$0x1FF10];
	_ =	sdelay $0x7  }
0x33: {  	v15 =	vld.idx.msk [tilespmem:v0+s2+$0x0], $0xffff  }
0x34: {  	v0 =	vld [tilespmem:$0x1FFA0];
	_ =	sdelay $0x3  }
0x35: {  	v2 =	vld [tilespmem:$0x1FFF0]  }
0x36: {  	v5 =	vld [tilespmem:$0x1FF30]  }
0x37: {  	v48 =	vld.idx.msk [tilespmem:v7+s8+$0x0], $0xffff  }
0x38: {  	v6 =	vld.idx.msk [tilespmem:v20+s8+$0x0], $0xffff;
	v42 =	vsub.s32 v41, v1  }
0x39: {  	v42 =	vshll.u32 v42, $0x2;
	v55 =	vld.idx.msk [tilespmem:v0+s8+$0x0], $0xffff  }
0x3a: {  	v41 =	vand.u32 $0x7F, v41;
	v42 =	vand.u32 $0xFFFFFE00, v42;
	v0 =	vld [tilespmem:$0x1FFB0]  }
0x3b: {  	v9 =	vld.idx.msk [tilespmem:v21+s8+$0x0], $0xffff;
	v41 =	vor.u32 v41, v42  }
0x3c: {  	v10 =	vld.idx.msk [tilespmem:v22+s8+$0x0], $0xffff  }
0x3d: {  	v18 =	vld.idx.msk [tilespmem:v25+s8+$0x0], $0xffff  }
0x3e: {  	v2 =	vld.idx.msk [tilespmem:v2+s8+$0x0], $0xffff  }
0x3f: {  	v17 =	vld.idx.msk [tilespmem:v5+s2+$0x0], $0xffff;
	v43 =	vor.u32 $0x80, v41;
	v46 =	vsub.s32 v13, v1  }
0x40: {  	v44 =	vor.u32 $0x100, v41;
	v45 =	vor.u32 $0x180, v41;
	v41 =	vld.idx.msk [tilespmem:v41+s9+$0x0], $0xffff;
	v46 =	vshll.u32 v46, $0x2  }
0x41: {  	v42 =	vand.u32 $0x7F, v13;
	v13 =	vld [tilespmem:$0x1FF40];
	v46 =	vand.u32 $0xFFFFFE00, v46  }
0x42: {  	v42 =	vor.u32 v42, v46;
	v57 =	vld.idx.msk [tilespmem:v0+s8+$0x0], $0xffff  }
0x43: {  	v0 =	vld [tilespmem:$0x1FFC0]  }
0x44: {  	v43 =	vld.idx.msk [tilespmem:v43+s9+$0x0], $0xffff;
	v47 =	vor.u32 $0x80, v42  }
0x45: {  	v44 =	vld.idx.msk [tilespmem:v44+s9+$0x0], $0xffff;
	v49 =	vor.u32 $0x100, v42  }
0x46: {  	v45 =	vld.idx.msk [tilespmem:v45+s9+$0x0], $0xffff;
	v53 =	vsub.s32 v14, v1  }
0x47: {  	v52 =	vor.u32 $0x180, v42;
	v42 =	vld.idx.msk [tilespmem:v42+s9+$0x0], $0xffff;
	v53 =	vshll.u32 v53, $0x2  }
0x48: {  	v46 =	vand.u32 $0x7F, v14;
	v14 =	vld.idx.msk [tilespmem:v23+s8+$0x0], $0xffff;
	v53 =	vand.u32 $0xFFFFFE00, v53  }
0x49: {  	v47 =	vld.idx.msk [tilespmem:v47+s9+$0x0], $0xffff;
	v46 =	vor.u32 v46, v53;
	v60 =	vsub.s32 v15, v1  }
0x4a: {  	v49 =	vld.idx.msk [tilespmem:v49+s9+$0x0], $0xffff;
	v54 =	vor.u32 $0x80, v46;
	v60 =	vshll.u32 v60, $0x2  }
0x4b: {  	v56 =	vor.u32 $0x100, v46;
	v53 =	vand.u32 $0x7F, v15;
	v60 =	vand.u32 $0xFFFFFE00, v60;
	v58 =	vld.idx.msk [tilespmem:v0+s8+$0x0], $0xffff  }
0x4c: {  	v53 =	vor.u32 v53, v60;
	v0 =	vld [tilespmem:$0x1FF20]  }
0x4d: {  	v52 =	vld.idx.msk [tilespmem:v52+s9+$0x0], $0xffff;
	v61 =	vor.u32 $0x80, v53  }
0x4e: {  	v59 =	vor.u32 $0x180, v46;
	v46 =	vld.idx.msk [tilespmem:v46+s9+$0x0], $0xffff;
	v63 =	vor.u32 $0x100, v53  }
0x4f: {  	v54 =	vld.idx.msk [tilespmem:v54+s9+$0x0], $0xffff  }
0x50: {  	v56 =	vld.idx.msk [tilespmem:v56+s9+$0x0], $0xffff  }
0x51: {  	v3 =	vor.u32 $0x180, v53;
	v53 =	vld.idx.msk [tilespmem:v53+s9+$0x0], $0xffff  }
0x52: {  	v61 =	vld.idx.msk [tilespmem:v61+s9+$0x0], $0xffff  }
0x53: {  	v63 =	vld.idx.msk [tilespmem:v63+s9+$0x0], $0xffff  }
0x54: {  	v16 =	vld.idx.msk [tilespmem:v0+s2+$0x0], $0xffff  }
0x55: {  	v41 =	vmul.f32 v48, v41;
	v43 =	vmul.f32 v50, v43;
	v0 =	vld [tilespmem:$0x1FFD0]  }
0x56: {  	v59 =	vld.idx.msk [tilespmem:v59+s9+$0x0], $0xffff  }
0x57: {  	v41 =	vadd.f32 v43, v41;
	v43 =	vmul.f32 v51, v44;
	v44 =	vld.idx.msk [tilespmem:v26+s8+$0x0], $0xffff  }
0x58: {  	v51 =	vld.idx.msk [tilespmem:v27+s8+$0x0], $0xffff;
	v42 =	vmul.f32 v55, v42  }
0x59: {  	v12 =	vsub.s32 v17, v1;
	v3 =	vld.idx.msk [tilespmem:v3+s9+$0x0], $0xffff;
	v6 =	vmul.f32 v6, v53;
	v9 =	vmul.f32 v9, v61  }
0x5a: {  	v12 =	vshll.u32 v12, $0x2;
	v10 =	vmul.f32 v10, v63;
	v63 =	vld.idx.msk [tilespmem:v36+s8+$0x0], $0xffff;
	v47 =	vmul.f32 v57, v47  }
0x5b: {  	v12 =	vand.u32 $0xFFFFFE00, v12;
	v57 =	vld.idx.msk [tilespmem:v28+s8+$0x0], $0xffff;
	v6 =	vadd.f32 v9, v6;
	v4 =	vsub.s32 v16, v1  }
0x5c: {  	v41 =	vadd.f32 v43, v41;
	v9 =	vld.idx.msk [tilespmem:v31+s8+$0x0], $0xffff;
	v42 =	vadd.f32 v47, v42;
	v4 =	vshll.u32 v4, $0x2  }
0x5d: {  	v6 =	vadd.f32 v10, v6;
	v60 =	vand.u32 $0x7F, v16;
	v4 =	vand.u32 $0xFFFFFE00, v4;
	v62 =	vld.idx.msk [tilespmem:v0+s8+$0x0], $0xffff  }
0x5e: {  	v43 =	vmul.f32 v58, v49;
	v0 =	vld [tilespmem:$0x1FFE0];
	v4 =	vor.u32 v60, v4;
	v60 =	vand.u32 $0x7F, v17  }
0x5f: {  	v12 =	vor.u32 v60, v12;
	v60 =	vld.idx.msk [tilespmem:v13+s2+$0x0], $0xffff  }
0x60: {  	v3 =	vsub.f32 v3, v6;
	v6 =	vld.idx.msk [tilespmem:v34+s8+$0x0], $0xffff;
	v42 =	vadd.f32 v43, v42;
	v5 =	vor.u32 $0x80, v4  }
0x61: {  	v49 =	vld.idx.msk [tilespmem:v29+s8+$0x0], $0xffff  }
0x62: {  	v42 =	vsub.f32 v52, v42;
	v52 =	vld.idx.msk [tilespmem:v37+s8+$0x0], $0xffff  }
0x63: {  	v16 =	vld.idx.msk [tilespmem:v24+s8+$0x0], $0xffff;
	v8 =	vor.u32 $0x100, v4  }
0x64: {  	v11 =	vor.u32 $0x180, v4;
	v4 =	vld.idx.msk [tilespmem:v4+s9+$0x0], $0xffff;
	v19 =	vsub.s32 v60, v1  }
0x65: {  	v5 =	vld.idx.msk [tilespmem:v5+s9+$0x0], $0xffff;
	v19 =	vshll.u32 v19, $0x2  }
0x66: {  	v60 =	vand.u32 $0x7F, v60;
	v0 =	vld.idx.msk [tilespmem:v0+s8+$0x0], $0xffff;
	v19 =	vand.u32 $0xFFFFFE00, v19  }
0x67: {  	v13 =	vor.u32 $0x80, v12;
	v19 =	vor.u32 v60, v19;
	v60 =	vld [tilespmem:$0x1FF50]  }
0x68: {  	v8 =	vld.idx.msk [tilespmem:v8+s9+$0x0], $0xffff;
	v55 =	vor.u32 $0x100, v19  }
0x69: {  	v11 =	vld.idx.msk [tilespmem:v11+s9+$0x0], $0xffff  }
0x6a: {  	v15 =	vor.u32 $0x100, v12;
	v17 =	vor.u32 $0x180, v12;
	v12 =	vld.idx.msk [tilespmem:v12+s9+$0x0], $0xffff  }
0x6b: {  	v46 =	vmul.f32 v62, v46;
	v48 =	vor.u32 $0x80, v19;
	v0 =	vmul.f32 v0, v54;
	v54 =	vld [tilespmem:$0x1FF60]  }
0x6c: {  	v13 =	vld.idx.msk [tilespmem:v13+s9+$0x0], $0xffff  }
0x6d: {  	v0 =	vadd.f32 v0, v46;
	v46 =	vld.idx.msk [tilespmem:v55+s9+$0x0], $0xffff  }
0x6e: {  	v55 =	vld [tilespmem:$0x1FF70]  }
0x6f: {  	v50 =	vld.idx.msk [tilespmem:v60+s2+$0x0], $0xffff  }
0x70: {  	v2 =	vmul.f32 v2, v56;
	v47 =	vld.idx.msk [tilespmem:v48+s9+$0x0], $0xffff  }
0x71: {  	v41 =	vsub.f32 v45, v41;
	v60 =	vor.u32 $0x180, v19;
	v19 =	vld.idx.msk [tilespmem:v19+s9+$0x0], $0xffff  }
0x72: {  	v4 =	vmul.f32 v14, v4;
	v5 =	vmul.f32 v16, v5;
	v0 =	vadd.f32 v2, v0;
	v2 =	vld.idx.msk [tilespmem:v30+s8+$0x0], $0xffff  }
0x73: {  	v41 =	vadd.f32 $0.0e+00, v41;
	v42 =	vadd.f32 $0.0e+00, v42;
	v45 =	vld.idx.msk [tilespmem:v54+s2+$0x0], $0xffff  }
0x74: {  	v15 =	vld.idx.msk [tilespmem:v15+s9+$0x0], $0xffff;
	v8 =	vmul.f32 v18, v8;
	v4 =	vadd.f32 v5, v4;
	v58 =	vsub.s32 v50, v1  }
0x75: {  	v56 =	vmax.f32 v41, $0.0e+00;
	v42 =	vmax.f32 v42, $0.0e+00;
	v17 =	vld.idx.msk [tilespmem:v17+s9+$0x0], $0xffff;
	v62 =	vshll.u32 v58, $0x2  }
0x76: {  	v4 =	vadd.f32 v8, v4;
	v8 =	vld.idx.msk [tilespmem:v33+s8+$0x0], $0xffff;
	v58 =	vand.u32 $0x7F, v50;
	v43 =	vand.u32 $0xFFFFFE00, v62  }
0x77: {  	v19 =	vmul.f32 v49, v19;
	v2 =	vmul.f32 v2, v47;
	v16 =	vld.idx.msk [tilespmem:v55+s2+$0x0], $0xffff;
	v43 =	vor.u32 v58, v43  }
0x78: {  	v0 =	vsub.f32 v59, v0;
	v48 =	vld.idx.msk [tilespmem:v60+s9+$0x0], $0xffff;
	v61 =	vor.u32 $0x80, v43;
	v54 =	vsub.s32 v45, v1  }
0x79: {  	v2 =	vadd.f32 v2, v19;
	v19 =	vld.idx.msk [tilespmem:v39+s8+$0x0], $0xffff;
	v62 =	vor.u32 $0x100, v43;
	v14 =	vshll.u32 v54, $0x2  }
0x7a: {  	v0 =	vadd.f32 $0.0e+00, v0;
	v58 =	vld.idx.msk [tilespmem:v32+s8+$0x0], $0xffff;
	v45 =	vand.u32 $0x7F, v45;
	v14 =	vand.u32 $0xFFFFFE00, v14  }
0x7b: {  	v5 =	vor.u32 v45, v14;
	v14 =	vadd.f32 v42, v56;
	v56 =	vmul.f32 v57, v15;
	v57 =	vld.idx.msk [tilespmem:v38+s8+$0x0], $0xffff  }
0x7c: {  	v3 =	vadd.f32 $0.0e+00, v3;
	v60 =	vsub.s32 v16, v1;
	v53 =	vld.idx.msk [tilespmem:v43+s9+$0x0], $0xffff;
	v45 =	vor.u32 $0x80, v5  }
0x7d: {  	v0 =	vmax.f32 v0, $0.0e+00;
	v42 =	vshll.u32 v60, $0x2;
	v59 =	vor.u32 $0x100, v5;
	v41 =	vld.idx.msk [tilespmem:v61+s9+$0x0], $0xffff  }
0x7e: {  	v16 =	vand.u32 $0x7F, v16;
	v42 =	vand.u32 $0xFFFFFE00, v42;
	v43 =	vor.u32 $0x180, v43;
	v18 =	vld.idx.msk [tilespmem:v62+s9+$0x0], $0xffff  }
0x7f: {  	v3 =	vmax.f32 v3, $0.0e+00;
	v16 =	vor.u32 v16, v42;
	v0 =	vadd.f32 v0, v14;
	v62 =	vld.idx.msk [tilespmem:v35+s8+$0x0], $0xffff  }
0x80: {  	v13 =	vmul.f32 v51, v13;
	v4 =	vsub.f32 v11, v4;
	v42 =	vor.u32 $0x80, v16;
	v61 =	vld.idx.msk [tilespmem:v5+s9+$0x0], $0xffff  }
0x81: {  	v55 =	vor.u32 $0x100, v16;
	v0 =	vadd.f32 v3, v0;
	v3 =	vmul.f32 v44, v12;
	v45 =	vld.idx.msk [tilespmem:v45+s9+$0x0], $0xffff  }
0x82: {  	v4 =	vadd.f32 $0.0e+00, v4;
	v14 =	vld.idx.msk [tilespmem:v59+s9+$0x0], $0xffff  }
0x83: {  	v3 =	vadd.f32 v13, v3;
	v10 =	vmul.f32 v58, v53;
	v58 =	vld.idx.msk [tilespmem:v43+s9+$0x0], $0xffff  }
0x84: {  	v9 =	vmul.f32 v9, v46;
	v4 =	vmax.f32 v4, $0.0e+00;
	v5 =	vor.u32 $0x180, v5;
	v54 =	vld.idx.msk [tilespmem:v16+s9+$0x0], $0xffff  }
0x85: {  	v0 =	vadd.f32 v4, v0;
	v8 =	vmul.f32 v8, v41;
	v4 =	vld.idx.msk [tilespmem:v42+s9+$0x0], $0xffff;
	v3 =	vadd.f32 v56, v3  }
0x86: {  	v2 =	vadd.f32 v9, v2;
	v60 =	vor.u32 $0x180, v16;
	v6 =	vmul.f32 v6, v18;
	v59 =	vld.idx.msk [tilespmem:v55+s9+$0x0], $0xffff  }
0x87: {  	v8 =	vadd.f32 v8, v10;
	v3 =	vsub.f32 v17, v3;
	v11 =	vmul.f32 v62, v61;
	v61 =	vld.idx.msk [tilespmem:v40+s8+$0x0], $0xffff  }
0x88: {  	v2 =	vsub.f32 v48, v2;
	v12 =	vmul.f32 v63, v45  }
0x89: {  	v5 =	vld.idx.msk [tilespmem:v5+s9+$0x0], $0xffff;
	v6 =	vadd.f32 v6, v8;
	v8 =	vmul.f32 v52, v14;
	v3 =	vadd.f32 $0.0e+00, v3  }
0x8a: {  	v62 =	vmul.f32 v57, v54;
	v11 =	vadd.f32 v12, v11;
	v4 =	vmul.f32 v19, v4  }
0x8b: {  	v2 =	vadd.f32 $0.0e+00, v2;
	v63 =	vld.idx.msk [tilespmem:v60+s9+$0x0], $0xffff;
	v6 =	vsub.f32 v58, v6;
	v3 =	vmax.f32 v3, $0.0e+00  }
0x8c: {  	v8 =	vadd.f32 v8, v11;
	v4 =	vadd.f32 v4, v62;
	v10 =	vmul.f32 v61, v59  }
0x8d: {  	v0 =	vadd.f32 v3, v0;
	v3 =	vadd.f32 $0.0e+00, v6  }
0x8e: {  	v2 =	vmax.f32 v2, $0.0e+00;
	v5 =	vsub.f32 v5, v8;
	v4 =	vadd.f32 v10, v4  }
0x8f: {  	v0 =	vadd.f32 v2, v0  }
0x90: {  	v2 =	vmax.f32 v3, $0.0e+00;
	v3 =	vadd.f32 $0.0e+00, v5;
	v4 =	vsub.f32 v63, v4  }
0x91: {  	v0 =	vadd.f32 v2, v0  }
0x92: {  	v2 =	vmax.f32 v3, $0.0e+00;
	v3 =	vadd.f32 $0.0e+00, v4  }
0x93: {  	v0 =	vadd.f32 v2, v0  }
0x94: {  	v2 =	vmax.f32 v3, $0.0e+00  }
0x95: {  	v0 =	vadd.f32 v2, v0  }
0x96: {  	p0 =	sne.s32 s7, $0x1  }
.Ltmp0:
0x97: {  	[tilespmem:$0xDA00] =	vst v0;
	(pc) =	sbr.rel @p0 .LBB2_1-.Ltmp0, $4  }
0x98: {  	[hbm4b:s6+s2] =	stream.linear.scatter [tilespmem:s11], [sflag:$0x2], $0x10, $0x38;
	[tilespmem:$0xDA80] =	vst v63  }
0x99: {  	_ =	swait.ge [sflag:s12], $0x10  }
0x9a: {  	[sflag:s12] =	ssyncset.done $0x0  }
0x9b: {  	s7 =	sadd.s32 $0xFFFFFFFF, s7;
	[sflag:s12] =	ssyncadd.s32 $0xFFFFFFF0  }
0x9c: {  	_ =	sfence.sel $0x180000  }
0x9d: {  	[bflag:$0x0] =	sbarrier.arrive $0xFFFF  }
0x9e: {  	p0 =	sne.s32 s0, $0x0;
	_ =	strace $0x90000047  }
0x9f: {  	s0 =	sadd.s32 @!p0 $0x100000, s1;
	[bflag:$0x2] =	sbarrier.arrive $0xFFFF  }
0xa0: {  	[sflag:s0] =	ssyncadd.tile.s32 @!p0 $0x1;
	_ =	shalt  }
.Lfunc_end2:
_tile_overlayer_lowered:
.L_overlay_start_2:
0xa1: {  	(tag) =	ssettag $0x2  }
0xa2: {  	s0 =	rddreg [dreg:$0x0];
	s2 =	stileid.u32  }
0xa3: {  	s1 =	rddreg [dreg:$0x1];
	p0 =	sne.s32 s2, $0x0  }
0xa4: {  	s3 =	rddreg [dreg:$0x2];
	[bflag:$0x3] =	sbarrier.arrive $0xFFFF;
	s2 =	simm.s32 @!p0 $0x1C02  }
0xa5: {  	[timem:s3], [sflag:s2] =	dma.local @!p0 [hbm:s0], s1  }
0xa6: {  	s0 =	simm.s32 @!p0 $0x2  }
0xa7: {  	_ =	swait.ge @!p0 [sflag:s0], s1  }
0xa8: {  	s1 =	ssub.s32 @!p0 $0x0, s1;
	[sflag:s0] =	ssyncset.done @!p0 $0x0  }
0xa9: {  	[sflag:s0] =	ssyncadd.s32 @!p0 s1  }
0xaa: {  	[bflag:$0x3] =	sbarrier.arrive $0xFFFF  }
0xab: {  	_ =	shalt  }

</sc_bundles>
